<compile_context>
chip_gen: v7x
topology: tpu7x:2x2x1
jax: 0.10.2.dev20260603
libtpu: 0.0.44.dev20260713+nightly
codegen_flags: <defaults>
</compile_context>

<pallas_src>
import functools

import jax
import jax.numpy as jnp
from jax import lax
from jax.experimental import pallas as pl
from jax.experimental.pallas import tpu as pltpu
from jax.experimental.pallas import tpu_sc as plsc

_SIZES = (8, 8, 8, 8)
_NDIM = 4
_BATCH = 4096
_TABLE = 4096
_LANES = 16


def _lattice_body(rows_per_tile, xt_hbm, out_hbm,
                  xv, table_v, out_v, sem):
    sid = lax.axis_index("s")
    base = sid * rows_per_tile

    copies = [pltpu.async_copy(
        xt_hbm.at[pl.ds(_NDIM * _BATCH, _TABLE)], table_v, sem)]
    for i in range(_NDIM):
        copies.append(pltpu.async_copy(
            xt_hbm.at[pl.ds(i * _BATCH + base, rows_per_tile)],
            xv.at[pl.ds(i * rows_per_tile, rows_per_tile)],
            sem,
        ))
    for c in copies:
        c.wait()

    @plsc.parallel_loop(0, rows_per_tile, step=_LANES, unroll=1)
    def _group(g):
        fr = []
        idx0 = None
        for i in range(_NDIM):
            xi = xv[pl.ds(i * rows_per_tile + g, _LANES)]
            s = _SIZES[i]
            xi = jnp.clip(xi, 0.0, float(s - 1))
            lo = jnp.minimum(xi.astype(jnp.int32), s - 2)
            fr.append(xi - lo.astype(jnp.float32))
            idx0 = lo if idx0 is None else idx0 * s + lo
        a = [(1.0 - f, f) for f in fr]
        w01 = [a[0][c0] * a[1][c1] for c0 in (0, 1) for c1 in (0, 1)]
        w23 = [a[2][c2] * a[3][c3] for c2 in (0, 1) for c3 in (0, 1)]
        acc = None
        for c01 in range(4):
            off01 = (c01 >> 1) * 512 + (c01 & 1) * 64
            for c23 in range(4):
                off = off01 + (c23 >> 1) * 8 + (c23 & 1)
                vals = plsc.load_gather(table_v, [idx0 + off])
                term = (w01[c01] * w23[c23]) * vals
                acc = term if acc is None else acc + term
        out_v[pl.ds(g, _LANES)] = acc

    pltpu.sync_copy(out_v, out_hbm.at[pl.ds(base, rows_per_tile)])


def kernel(x, kernel):
    info = plsc.get_sparse_core_info()
    n_tiles = info.num_subcores
    rows_per_tile = _BATCH // n_tiles

    mesh = plsc.VectorSubcoreMesh(
        core_axis_name="c", subcore_axis_name="s", num_cores=1)
    sc_call = pl.kernel(
        functools.partial(_lattice_body, rows_per_tile),
        out_type=jax.ShapeDtypeStruct((_BATCH,), jnp.float32),
        mesh=mesh,
        compiler_params=pltpu.CompilerParams(needs_layout_passes=False),
        scratch_types=[
            pltpu.VMEM((_NDIM * rows_per_tile,), jnp.float32),
            pltpu.VMEM((_TABLE,), jnp.float32),
            pltpu.VMEM((rows_per_tile,), jnp.float32),
            pltpu.SemaphoreType.DMA,
        ],
    )
    x_cols = x.T.reshape(-1)
    packed = jnp.concatenate([x_cols, kernel.reshape(-1)])
    out = sc_call(packed)
    return out.reshape(_BATCH, 1)

# --- scband reference (transcript-rebuilt; emitter-appended) ---
"""Pipeline reference for scband-lattice-17214228922967 (READ-ONLY COPY).

The authoritative reference and input builder live on the scoring server;
editing this copy changes nothing except your own understanding.
"""

import jax, jax.numpy as jnp
import numpy as np

LATTICE_SIZES = [8, 8, 8, 8]
OUTPUT_MIN = 0.0
OUTPUT_MAX = 1.0
BATCH = 4096


def _linear_kernel():
    # Faithful port of Lattice._linear_initializer with default (no) constraints:
    # monotonicities/unimodalities all zero -> num_constraint_dims == 0 ->
    # monotonicities set to all ones, dim_range = (max - min) / d, each dim gets
    # linspace(0, dim_range, size), combined with outer *addition*, then + output_min.
    d = len(LATTICE_SIZES)
    dim_range = (OUTPUT_MAX - OUTPUT_MIN) / d
    w = np.zeros((1,), dtype=np.float64)
    for s in LATTICE_SIZES:
        one_d = np.linspace(0.0, dim_range, s)
        w = (w[:, None] + one_d[None, :]).reshape(-1)
    w = w + OUTPUT_MIN
    return jnp.asarray(w.reshape(-1, 1), dtype=jnp.float32)  # (prod(sizes), units=1)


def setup_inputs(seed: int = 0) -> dict:
    key = jax.random.key(seed)
    x = jax.random.uniform(key, (BATCH, len(LATTICE_SIZES)), dtype=jnp.float32)
    kernel = _linear_kernel()
    return {"x": x, "kernel": kernel}


def _interp_weights(x):
    # Hypercube interpolation weights. Per dimension i with size s_i, the 1-D
    # weight at keypoint j is relu(1 - |x_i - j|) (exactly the standard linear
    # interpolation hat functions: only the two surrounding keypoints nonzero).
    # Full hypercube weights are the flattened outer product across dims,
    # giving shape (batch, prod(lattice_sizes)). clip_inputs=True clips x_i to
    # [0, s_i - 1].
    B = x.shape[0]
    weights = jnp.ones((B, 1), dtype=x.dtype)
    for i, s in enumerate(LATTICE_SIZES):
        xi = jnp.clip(x[:, i], 0.0, float(s - 1))
        kp = jnp.arange(s, dtype=x.dtype)
        wi = jnp.maximum(1.0 - jnp.abs(xi[:, None] - kp[None, :]), 0.0)  # (B, s)
        weights = (weights[:, :, None] * wi[:, None, :]).reshape(B, -1)
    return weights


def reference(x, kernel):
    # units == 1 path: matmul(interpolation_weights, kernel) -> (batch, 1)
    w = _interp_weights(x)
    return w @ kernel

if __name__ == "__main__":
    import jax
    _d = setup_inputs()
    print(jax.jit(kernel)(*tuple(_d.values())))

</pallas_src>

<mosaic_0001>
#map = affine_map<(d0, d1) -> (0)>
module attributes {stable_mosaic.version = 14 : i64} {
  func.func @_lattice_body(%arg0: i32, %arg1: i32, %arg2: memref<20480xf32, #tpu.memory_space<hbm>>, %arg3: memref<4096xf32, #tpu.memory_space<hbm>>, %arg4: memref<1024xf32, #tpu.memory_space<vmem>>, %arg5: memref<4096xf32, #tpu.memory_space<vmem>>, %arg6: memref<256xf32, #tpu.memory_space<vmem>>, %arg7: memref<!tpu.dma_semaphore, #tpu.memory_space<semaphore_mem>>) attributes {dimension_semantics = [#tpu.dimension_semantics<core_parallel>, #tpu.dimension_semantics<subcore_parallel>], iteration_bounds = array<i64: 1, 16>, scalar_prefetch = 0 : i64, scratch_operands = 4 : i64, tpu.core_type = #tpu.core_type<sc_vector_subcore>, window_params = [{transform_indices = #map}, {transform_indices = #map}]} {
    %mul3A = arith.constant 256 : i32
    %mul3A_0 = arith.muli %arg1, %mul3A : i32
    %dma_start3A = arith.constant 16384 : i32
    %dma_start3A_1 = tpu.memref_slice %arg2[%dma_start3A] : memref<20480xf32, #tpu.memory_space<hbm>> -> memref<4096xf32, #tpu.memory_space<hbm>>
    %dma_start3A_2 = arith.constant 16384 : i32
    %dma_start3A_3 = tpu.memref_slice %arg2[%dma_start3A_2] : memref<20480xf32, #tpu.memory_space<hbm>> -> memref<4096xf32, #tpu.memory_space<hbm>>
    tpu.enqueue_dma source(%dma_start3A_3 : memref<4096xf32, #tpu.memory_space<hbm>>) target(%arg5 : memref<4096xf32, #tpu.memory_space<vmem>>) target_semaphore(%arg7 : memref<!tpu.dma_semaphore, #tpu.memory_space<semaphore_mem>>)
    %add3A = arith.constant 0 : i32
    %add3A_4 = arith.addi %add3A, %mul3A_0 : i32
    %dma_start3A_5 = arith.constant 0 : i32
    %dma_start3A_6 = tpu.memref_slice %arg4[%dma_start3A_5] : memref<1024xf32, #tpu.memory_space<vmem>> -> memref<256xf32, #tpu.memory_space<vmem>>
    %dma_start3A_7 = tpu.memref_slice %arg2[%add3A_4] : memref<20480xf32, #tpu.memory_space<hbm>> -> memref<256xf32, #tpu.memory_space<hbm>>
    %dma_start3A_8 = arith.constant 0 : i32
    %dma_start3A_9 = tpu.memref_slice %arg4[%dma_start3A_8] : memref<1024xf32, #tpu.memory_space<vmem>> -> memref<256xf32, #tpu.memory_space<vmem>>
    %dma_start3A_10 = tpu.memref_slice %arg2[%add3A_4] : memref<20480xf32, #tpu.memory_space<hbm>> -> memref<256xf32, #tpu.memory_space<hbm>>
    tpu.enqueue_dma source(%dma_start3A_10 : memref<256xf32, #tpu.memory_space<hbm>>) target(%dma_start3A_9 : memref<256xf32, #tpu.memory_space<vmem>>) target_semaphore(%arg7 : memref<!tpu.dma_semaphore, #tpu.memory_space<semaphore_mem>>)
    %add3A_11 = arith.constant 4096 : i32
    %add3A_12 = arith.addi %add3A_11, %mul3A_0 : i32
    %dma_start3A_13 = arith.constant 256 : i32
    %dma_start3A_14 = tpu.memref_slice %arg4[%dma_start3A_13] : memref<1024xf32, #tpu.memory_space<vmem>> -> memref<256xf32, #tpu.memory_space<vmem>>
    %dma_start3A_15 = tpu.memref_slice %arg2[%add3A_12] : memref<20480xf32, #tpu.memory_space<hbm>> -> memref<256xf32, #tpu.memory_space<hbm>>
    %dma_start3A_16 = arith.constant 256 : i32
    %dma_start3A_17 = tpu.memref_slice %arg4[%dma_start3A_16] : memref<1024xf32, #tpu.memory_space<vmem>> -> memref<256xf32, #tpu.memory_space<vmem>>
    %dma_start3A_18 = tpu.memref_slice %arg2[%add3A_12] : memref<20480xf32, #tpu.memory_space<hbm>> -> memref<256xf32, #tpu.memory_space<hbm>>
    tpu.enqueue_dma source(%dma_start3A_18 : memref<256xf32, #tpu.memory_space<hbm>>) target(%dma_start3A_17 : memref<256xf32, #tpu.memory_space<vmem>>) target_semaphore(%arg7 : memref<!tpu.dma_semaphore, #tpu.memory_space<semaphore_mem>>)
    %add3A_19 = arith.constant 8192 : i32
    %add3A_20 = arith.addi %add3A_19, %mul3A_0 : i32
    %dma_start3A_21 = arith.constant 512 : i32
    %dma_start3A_22 = tpu.memref_slice %arg4[%dma_start3A_21] : memref<1024xf32, #tpu.memory_space<vmem>> -> memref<256xf32, #tpu.memory_space<vmem>>
    %dma_start3A_23 = tpu.memref_slice %arg2[%add3A_20] : memref<20480xf32, #tpu.memory_space<hbm>> -> memref<256xf32, #tpu.memory_space<hbm>>
    %dma_start3A_24 = arith.constant 512 : i32
    %dma_start3A_25 = tpu.memref_slice %arg4[%dma_start3A_24] : memref<1024xf32, #tpu.memory_space<vmem>> -> memref<256xf32, #tpu.memory_space<vmem>>
    %dma_start3A_26 = tpu.memref_slice %arg2[%add3A_20] : memref<20480xf32, #tpu.memory_space<hbm>> -> memref<256xf32, #tpu.memory_space<hbm>>
    tpu.enqueue_dma source(%dma_start3A_26 : memref<256xf32, #tpu.memory_space<hbm>>) target(%dma_start3A_25 : memref<256xf32, #tpu.memory_space<vmem>>) target_semaphore(%arg7 : memref<!tpu.dma_semaphore, #tpu.memory_space<semaphore_mem>>)
    %add3A_27 = arith.constant 12288 : i32
    %add3A_28 = arith.addi %add3A_27, %mul3A_0 : i32
    %dma_start3A_29 = arith.constant 768 : i32
    %dma_start3A_30 = tpu.memref_slice %arg4[%dma_start3A_29] : memref<1024xf32, #tpu.memory_space<vmem>> -> memref<256xf32, #tpu.memory_space<vmem>>
    %dma_start3A_31 = tpu.memref_slice %arg2[%add3A_28] : memref<20480xf32, #tpu.memory_space<hbm>> -> memref<256xf32, #tpu.memory_space<hbm>>
    %dma_start3A_32 = arith.constant 768 : i32
    %dma_start3A_33 = tpu.memref_slice %arg4[%dma_start3A_32] : memref<1024xf32, #tpu.memory_space<vmem>> -> memref<256xf32, #tpu.memory_space<vmem>>
    %dma_start3A_34 = tpu.memref_slice %arg2[%add3A_28] : memref<20480xf32, #tpu.memory_space<hbm>> -> memref<256xf32, #tpu.memory_space<hbm>>
    tpu.enqueue_dma source(%dma_start3A_34 : memref<256xf32, #tpu.memory_space<hbm>>) target(%dma_start3A_33 : memref<256xf32, #tpu.memory_space<vmem>>) target_semaphore(%arg7 : memref<!tpu.dma_semaphore, #tpu.memory_space<semaphore_mem>>)
    %dma_wait3A = arith.constant 16384 : i32
    %dma_wait3A_35 = tpu.memref_slice %arg2[%dma_wait3A] : memref<20480xf32, #tpu.memory_space<hbm>> -> memref<4096xf32, #tpu.memory_space<hbm>>
    %dma_wait3A_36 = arith.constant 16384 : i32
    %dma_wait3A_37 = tpu.memref_slice %arg2[%dma_wait3A_36] : memref<20480xf32, #tpu.memory_space<hbm>> -> memref<4096xf32, #tpu.memory_space<hbm>>
    tpu.wait_dma2 semaphore(%arg7 : memref<!tpu.dma_semaphore, #tpu.memory_space<semaphore_mem>>) src(%dma_wait3A_37 : memref<4096xf32, #tpu.memory_space<hbm>>) dst(%arg5 : memref<4096xf32, #tpu.memory_space<vmem>>)
    %dma_wait3A_38 = arith.constant 0 : i32
    %dma_wait3A_39 = tpu.memref_slice %arg4[%dma_wait3A_38] : memref<1024xf32, #tpu.memory_space<vmem>> -> memref<256xf32, #tpu.memory_space<vmem>>
    %dma_wait3A_40 = tpu.memref_slice %arg2[%add3A_4] : memref<20480xf32, #tpu.memory_space<hbm>> -> memref<256xf32, #tpu.memory_space<hbm>>
    %dma_wait3A_41 = arith.constant 0 : i32
    %dma_wait3A_42 = tpu.memref_slice %arg4[%dma_wait3A_41] : memref<1024xf32, #tpu.memory_space<vmem>> -> memref<256xf32, #tpu.memory_space<vmem>>
    %dma_wait3A_43 = tpu.memref_slice %arg2[%add3A_4] : memref<20480xf32, #tpu.memory_space<hbm>> -> memref<256xf32, #tpu.memory_space<hbm>>
    tpu.wait_dma2 semaphore(%arg7 : memref<!tpu.dma_semaphore, #tpu.memory_space<semaphore_mem>>) src(%dma_wait3A_43 : memref<256xf32, #tpu.memory_space<hbm>>) dst(%dma_wait3A_42 : memref<256xf32, #tpu.memory_space<vmem>>)
    %dma_wait3A_44 = arith.constant 256 : i32
    %dma_wait3A_45 = tpu.memref_slice %arg4[%dma_wait3A_44] : memref<1024xf32, #tpu.memory_space<vmem>> -> memref<256xf32, #tpu.memory_space<vmem>>
    %dma_wait3A_46 = tpu.memref_slice %arg2[%add3A_12] : memref<20480xf32, #tpu.memory_space<hbm>> -> memref<256xf32, #tpu.memory_space<hbm>>
    %dma_wait3A_47 = arith.constant 256 : i32
    %dma_wait3A_48 = tpu.memref_slice %arg4[%dma_wait3A_47] : memref<1024xf32, #tpu.memory_space<vmem>> -> memref<256xf32, #tpu.memory_space<vmem>>
    %dma_wait3A_49 = tpu.memref_slice %arg2[%add3A_12] : memref<20480xf32, #tpu.memory_space<hbm>> -> memref<256xf32, #tpu.memory_space<hbm>>
    tpu.wait_dma2 semaphore(%arg7 : memref<!tpu.dma_semaphore, #tpu.memory_space<semaphore_mem>>) src(%dma_wait3A_49 : memref<256xf32, #tpu.memory_space<hbm>>) dst(%dma_wait3A_48 : memref<256xf32, #tpu.memory_space<vmem>>)
    %dma_wait3A_50 = arith.constant 512 : i32
    %dma_wait3A_51 = tpu.memref_slice %arg4[%dma_wait3A_50] : memref<1024xf32, #tpu.memory_space<vmem>> -> memref<256xf32, #tpu.memory_space<vmem>>
    %dma_wait3A_52 = tpu.memref_slice %arg2[%add3A_20] : memref<20480xf32, #tpu.memory_space<hbm>> -> memref<256xf32, #tpu.memory_space<hbm>>
    %dma_wait3A_53 = arith.constant 512 : i32
    %dma_wait3A_54 = tpu.memref_slice %arg4[%dma_wait3A_53] : memref<1024xf32, #tpu.memory_space<vmem>> -> memref<256xf32, #tpu.memory_space<vmem>>
    %dma_wait3A_55 = tpu.memref_slice %arg2[%add3A_20] : memref<20480xf32, #tpu.memory_space<hbm>> -> memref<256xf32, #tpu.memory_space<hbm>>
    tpu.wait_dma2 semaphore(%arg7 : memref<!tpu.dma_semaphore, #tpu.memory_space<semaphore_mem>>) src(%dma_wait3A_55 : memref<256xf32, #tpu.memory_space<hbm>>) dst(%dma_wait3A_54 : memref<256xf32, #tpu.memory_space<vmem>>)
    %dma_wait3A_56 = arith.constant 768 : i32
    %dma_wait3A_57 = tpu.memref_slice %arg4[%dma_wait3A_56] : memref<1024xf32, #tpu.memory_space<vmem>> -> memref<256xf32, #tpu.memory_space<vmem>>
    %dma_wait3A_58 = tpu.memref_slice %arg2[%add3A_28] : memref<20480xf32, #tpu.memory_space<hbm>> -> memref<256xf32, #tpu.memory_space<hbm>>
    %dma_wait3A_59 = arith.constant 768 : i32
    %dma_wait3A_60 = tpu.memref_slice %arg4[%dma_wait3A_59] : memref<1024xf32, #tpu.memory_space<vmem>> -> memref<256xf32, #tpu.memory_space<vmem>>
    %dma_wait3A_61 = tpu.memref_slice %arg2[%add3A_28] : memref<20480xf32, #tpu.memory_space<hbm>> -> memref<256xf32, #tpu.memory_space<hbm>>
    tpu.wait_dma2 semaphore(%arg7 : memref<!tpu.dma_semaphore, #tpu.memory_space<semaphore_mem>>) src(%dma_wait3A_61 : memref<256xf32, #tpu.memory_space<hbm>>) dst(%dma_wait3A_60 : memref<256xf32, #tpu.memory_space<vmem>>)
    %parallel_loop3A = arith.constant 0 : i32
    %parallel_loop3A_62 = arith.constant 256 : i32
    %parallel_loop3A_63 = arith.constant 16 : i32
    scf.for %parallel_loop3A_64 = %parallel_loop3A to %parallel_loop3A_62 step %parallel_loop3A_63  : i32 {
      %parallel_loop3A_65 = arith.constant 0 : i32
      %parallel_loop3A_66 = arith.addi %parallel_loop3A_65, %parallel_loop3A_64 : i32
      %parallel_loop3A_67 = arith.index_cast %parallel_loop3A_66 : i32 to index
      %parallel_loop3A_68 = tpu.vector_load %arg4[%parallel_loop3A_67] {strides = array<i32>} : memref<1024xf32, #tpu.memory_space<vmem>>, vector<16xf32>,
      %parallel_loop3A_69 = arith.constant 0.000000e+00 : f32
      %parallel_loop3A_70 = arith.constant 7.000000e+00 : f32
      %parallel_loop3A_71 = vector.broadcast %parallel_loop3A_69 : f32 to vector<16xf32>
      %parallel_loop3A_72 = arith.maximumf %parallel_loop3A_71, %parallel_loop3A_68 : vector<16xf32>
      %parallel_loop3A_73 = vector.broadcast %parallel_loop3A_70 : f32 to vector<16xf32>
      %parallel_loop3A_74 = arith.minimumf %parallel_loop3A_73, %parallel_loop3A_72 : vector<16xf32>
      %parallel_loop3A_75 = arith.fptosi %parallel_loop3A_74 : vector<16xf32> to vector<16xi32>
      %parallel_loop3A_76 = arith.constant 6 : i32
      %parallel_loop3A_77 = vector.broadcast %parallel_loop3A_76 : i32 to vector<16xi32>
      %parallel_loop3A_78 = arith.minsi %parallel_loop3A_75, %parallel_loop3A_77 : vector<16xi32>
      %parallel_loop3A_79 = arith.sitofp %parallel_loop3A_78 : vector<16xi32> to vector<16xf32>
      %parallel_loop3A_80 = arith.subf %parallel_loop3A_74, %parallel_loop3A_79 : vector<16xf32>
      %parallel_loop3A_81 = arith.constant 256 : i32
      %parallel_loop3A_82 = arith.addi %parallel_loop3A_81, %parallel_loop3A_64 : i32
      %parallel_loop3A_83 = arith.index_cast %parallel_loop3A_82 : i32 to index
      %parallel_loop3A_84 = tpu.vector_load %arg4[%parallel_loop3A_83] {strides = array<i32>} : memref<1024xf32, #tpu.memory_space<vmem>>, vector<16xf32>,
      %parallel_loop3A_85 = arith.constant 0.000000e+00 : f32
      %parallel_loop3A_86 = arith.constant 7.000000e+00 : f32
      %parallel_loop3A_87 = vector.broadcast %parallel_loop3A_85 : f32 to vector<16xf32>
      %parallel_loop3A_88 = arith.maximumf %parallel_loop3A_87, %parallel_loop3A_84 : vector<16xf32>
      %parallel_loop3A_89 = vector.broadcast %parallel_loop3A_86 : f32 to vector<16xf32>
      %parallel_loop3A_90 = arith.minimumf %parallel_loop3A_89, %parallel_loop3A_88 : vector<16xf32>
      %parallel_loop3A_91 = arith.fptosi %parallel_loop3A_90 : vector<16xf32> to vector<16xi32>
      %parallel_loop3A_92 = arith.constant 6 : i32
      %parallel_loop3A_93 = vector.broadcast %parallel_loop3A_92 : i32 to vector<16xi32>
      %parallel_loop3A_94 = arith.minsi %parallel_loop3A_91, %parallel_loop3A_93 : vector<16xi32>
      %parallel_loop3A_95 = arith.sitofp %parallel_loop3A_94 : vector<16xi32> to vector<16xf32>
      %parallel_loop3A_96 = arith.subf %parallel_loop3A_90, %parallel_loop3A_95 : vector<16xf32>
      %parallel_loop3A_97 = arith.constant 8 : i32
      %parallel_loop3A_98 = vector.broadcast %parallel_loop3A_97 : i32 to vector<16xi32>
      %parallel_loop3A_99 = arith.muli %parallel_loop3A_78, %parallel_loop3A_98 : vector<16xi32>
      %parallel_loop3A_100 = arith.addi %parallel_loop3A_99, %parallel_loop3A_94 : vector<16xi32>
      %parallel_loop3A_101 = arith.constant 512 : i32
      %parallel_loop3A_102 = arith.addi %parallel_loop3A_101, %parallel_loop3A_64 : i32
      %parallel_loop3A_103 = arith.index_cast %parallel_loop3A_102 : i32 to index
      %parallel_loop3A_104 = tpu.vector_load %arg4[%parallel_loop3A_103] {strides = array<i32>} : memref<1024xf32, #tpu.memory_space<vmem>>, vector<16xf32>,
      %parallel_loop3A_105 = arith.constant 0.000000e+00 : f32
      %parallel_loop3A_106 = arith.constant 7.000000e+00 : f32
      %parallel_loop3A_107 = vector.broadcast %parallel_loop3A_105 : f32 to vector<16xf32>
      %parallel_loop3A_108 = arith.maximumf %parallel_loop3A_107, %parallel_loop3A_104 : vector<16xf32>
      %parallel_loop3A_109 = vector.broadcast %parallel_loop3A_106 : f32 to vector<16xf32>
      %parallel_loop3A_110 = arith.minimumf %parallel_loop3A_109, %parallel_loop3A_108 : vector<16xf32>
      %parallel_loop3A_111 = arith.fptosi %parallel_loop3A_110 : vector<16xf32> to vector<16xi32>
      %parallel_loop3A_112 = arith.constant 6 : i32
      %parallel_loop3A_113 = vector.broadcast %parallel_loop3A_112 : i32 to vector<16xi32>
      %parallel_loop3A_114 = arith.minsi %parallel_loop3A_111, %parallel_loop3A_113 : vector<16xi32>
      %parallel_loop3A_115 = arith.sitofp %parallel_loop3A_114 : vector<16xi32> to vector<16xf32>
      %parallel_loop3A_116 = arith.subf %parallel_loop3A_110, %parallel_loop3A_115 : vector<16xf32>
      %parallel_loop3A_117 = arith.constant 8 : i32
      %parallel_loop3A_118 = vector.broadcast %parallel_loop3A_117 : i32 to vector<16xi32>
      %parallel_loop3A_119 = arith.muli %parallel_loop3A_100, %parallel_loop3A_118 : vector<16xi32>
      %parallel_loop3A_120 = arith.addi %parallel_loop3A_119, %parallel_loop3A_114 : vector<16xi32>
      %parallel_loop3A_121 = arith.constant 768 : i32
      %parallel_loop3A_122 = arith.addi %parallel_loop3A_121, %parallel_loop3A_64 : i32
      %parallel_loop3A_123 = arith.index_cast %parallel_loop3A_122 : i32 to index
      %parallel_loop3A_124 = tpu.vector_load %arg4[%parallel_loop3A_123] {strides = array<i32>} : memref<1024xf32, #tpu.memory_space<vmem>>, vector<16xf32>,
      %parallel_loop3A_125 = arith.constant 0.000000e+00 : f32
      %parallel_loop3A_126 = arith.constant 7.000000e+00 : f32
      %parallel_loop3A_127 = vector.broadcast %parallel_loop3A_125 : f32 to vector<16xf32>
      %parallel_loop3A_128 = arith.maximumf %parallel_loop3A_127, %parallel_loop3A_124 : vector<16xf32>
      %parallel_loop3A_129 = vector.broadcast %parallel_loop3A_126 : f32 to vector<16xf32>
      %parallel_loop3A_130 = arith.minimumf %parallel_loop3A_129, %parallel_loop3A_128 : vector<16xf32>
      %parallel_loop3A_131 = arith.fptosi %parallel_loop3A_130 : vector<16xf32> to vector<16xi32>
      %parallel_loop3A_132 = arith.constant 6 : i32
      %parallel_loop3A_133 = vector.broadcast %parallel_loop3A_132 : i32 to vector<16xi32>
      %parallel_loop3A_134 = arith.minsi %parallel_loop3A_131, %parallel_loop3A_133 : vector<16xi32>
      %parallel_loop3A_135 = arith.sitofp %parallel_loop3A_134 : vector<16xi32> to vector<16xf32>
      %parallel_loop3A_136 = arith.subf %parallel_loop3A_130, %parallel_loop3A_135 : vector<16xf32>
      %parallel_loop3A_137 = arith.constant 8 : i32
      %parallel_loop3A_138 = vector.broadcast %parallel_loop3A_137 : i32 to vector<16xi32>
      %parallel_loop3A_139 = arith.muli %parallel_loop3A_120, %parallel_loop3A_138 : vector<16xi32>
      %parallel_loop3A_140 = arith.addi %parallel_loop3A_139, %parallel_loop3A_134 : vector<16xi32>
      %parallel_loop3A_141 = arith.constant 1.000000e+00 : f32
      %parallel_loop3A_142 = vector.broadcast %parallel_loop3A_141 : f32 to vector<16xf32>
      %parallel_loop3A_143 = arith.subf %parallel_loop3A_142, %parallel_loop3A_80 : vector<16xf32>
      %parallel_loop3A_144 = arith.constant 1.000000e+00 : f32
      %parallel_loop3A_145 = vector.broadcast %parallel_loop3A_144 : f32 to vector<16xf32>
      %parallel_loop3A_146 = arith.subf %parallel_loop3A_145, %parallel_loop3A_96 : vector<16xf32>
      %parallel_loop3A_147 = arith.constant 1.000000e+00 : f32
      %parallel_loop3A_148 = vector.broadcast %parallel_loop3A_147 : f32 to vector<16xf32>
      %parallel_loop3A_149 = arith.subf %parallel_loop3A_148, %parallel_loop3A_116 : vector<16xf32>
      %parallel_loop3A_150 = arith.constant 1.000000e+00 : f32
      %parallel_loop3A_151 = vector.broadcast %parallel_loop3A_150 : f32 to vector<16xf32>
      %parallel_loop3A_152 = arith.subf %parallel_loop3A_151, %parallel_loop3A_136 : vector<16xf32>
      %parallel_loop3A_153 = arith.mulf %parallel_loop3A_143, %parallel_loop3A_146 : vector<16xf32>
      %parallel_loop3A_154 = arith.mulf %parallel_loop3A_143, %parallel_loop3A_96 : vector<16xf32>
      %parallel_loop3A_155 = arith.mulf %parallel_loop3A_80, %parallel_loop3A_146 : vector<16xf32>
      %parallel_loop3A_156 = arith.mulf %parallel_loop3A_80, %parallel_loop3A_96 : vector<16xf32>
      %parallel_loop3A_157 = arith.mulf %parallel_loop3A_149, %parallel_loop3A_152 : vector<16xf32>
      %parallel_loop3A_158 = arith.mulf %parallel_loop3A_149, %parallel_loop3A_136 : vector<16xf32>
      %parallel_loop3A_159 = arith.mulf %parallel_loop3A_116, %parallel_loop3A_152 : vector<16xf32>
      %parallel_loop3A_160 = arith.mulf %parallel_loop3A_116, %parallel_loop3A_136 : vector<16xf32>
      %parallel_loop3A_161 = arith.constant 0 : i32
      %parallel_loop3A_162 = vector.broadcast %parallel_loop3A_161 : i32 to vector<16xi32>
      %parallel_loop3A_163 = arith.addi %parallel_loop3A_140, %parallel_loop3A_162 : vector<16xi32>
      %parallel_loop3A_164 = tpu.vector_load_idx %arg5[%parallel_loop3A_163] : memref<4096xf32, #tpu.memory_space<vmem>>[vector<16xi32>], vector<16xf32>,
      %parallel_loop3A_165 = arith.mulf %parallel_loop3A_153, %parallel_loop3A_157 : vector<16xf32>
      %parallel_loop3A_166 = arith.mulf %parallel_loop3A_165, %parallel_loop3A_164 : vector<16xf32>
      %parallel_loop3A_167 = arith.constant 1 : i32
      %parallel_loop3A_168 = vector.broadcast %parallel_loop3A_167 : i32 to vector<16xi32>
      %parallel_loop3A_169 = arith.addi %parallel_loop3A_140, %parallel_loop3A_168 : vector<16xi32>
      %parallel_loop3A_170 = tpu.vector_load_idx %arg5[%parallel_loop3A_169] : memref<4096xf32, #tpu.memory_space<vmem>>[vector<16xi32>], vector<16xf32>,
      %parallel_loop3A_171 = arith.mulf %parallel_loop3A_153, %parallel_loop3A_158 : vector<16xf32>
      %parallel_loop3A_172 = arith.mulf %parallel_loop3A_171, %parallel_loop3A_170 : vector<16xf32>
      %parallel_loop3A_173 = arith.addf %parallel_loop3A_166, %parallel_loop3A_172 : vector<16xf32>
      %parallel_loop3A_174 = arith.constant 8 : i32
      %parallel_loop3A_175 = vector.broadcast %parallel_loop3A_174 : i32 to vector<16xi32>
      %parallel_loop3A_176 = arith.addi %parallel_loop3A_140, %parallel_loop3A_175 : vector<16xi32>
      %parallel_loop3A_177 = tpu.vector_load_idx %arg5[%parallel_loop3A_176] : memref<4096xf32, #tpu.memory_space<vmem>>[vector<16xi32>], vector<16xf32>,
      %parallel_loop3A_178 = arith.mulf %parallel_loop3A_153, %parallel_loop3A_159 : vector<16xf32>
      %parallel_loop3A_179 = arith.mulf %parallel_loop3A_178, %parallel_loop3A_177 : vector<16xf32>
      %parallel_loop3A_180 = arith.addf %parallel_loop3A_173, %parallel_loop3A_179 : vector<16xf32>
      %parallel_loop3A_181 = arith.constant 9 : i32
      %parallel_loop3A_182 = vector.broadcast %parallel_loop3A_181 : i32 to vector<16xi32>
      %parallel_loop3A_183 = arith.addi %parallel_loop3A_140, %parallel_loop3A_182 : vector<16xi32>
      %parallel_loop3A_184 = tpu.vector_load_idx %arg5[%parallel_loop3A_183] : memref<4096xf32, #tpu.memory_space<vmem>>[vector<16xi32>], vector<16xf32>,
      %parallel_loop3A_185 = arith.mulf %parallel_loop3A_153, %parallel_loop3A_160 : vector<16xf32>
      %parallel_loop3A_186 = arith.mulf %parallel_loop3A_185, %parallel_loop3A_184 : vector<16xf32>
      %parallel_loop3A_187 = arith.addf %parallel_loop3A_180, %parallel_loop3A_186 : vector<16xf32>
      %parallel_loop3A_188 = arith.constant 64 : i32
      %parallel_loop3A_189 = vector.broadcast %parallel_loop3A_188 : i32 to vector<16xi32>
      %parallel_loop3A_190 = arith.addi %parallel_loop3A_140, %parallel_loop3A_189 : vector<16xi32>
      %parallel_loop3A_191 = tpu.vector_load_idx %arg5[%parallel_loop3A_190] : memref<4096xf32, #tpu.memory_space<vmem>>[vector<16xi32>], vector<16xf32>,
      %parallel_loop3A_192 = arith.mulf %parallel_loop3A_154, %parallel_loop3A_157 : vector<16xf32>
      %parallel_loop3A_193 = arith.mulf %parallel_loop3A_192, %parallel_loop3A_191 : vector<16xf32>
      %parallel_loop3A_194 = arith.addf %parallel_loop3A_187, %parallel_loop3A_193 : vector<16xf32>
      %parallel_loop3A_195 = arith.constant 65 : i32
      %parallel_loop3A_196 = vector.broadcast %parallel_loop3A_195 : i32 to vector<16xi32>
      %parallel_loop3A_197 = arith.addi %parallel_loop3A_140, %parallel_loop3A_196 : vector<16xi32>
      %parallel_loop3A_198 = tpu.vector_load_idx %arg5[%parallel_loop3A_197] : memref<4096xf32, #tpu.memory_space<vmem>>[vector<16xi32>], vector<16xf32>,
      %parallel_loop3A_199 = arith.mulf %parallel_loop3A_154, %parallel_loop3A_158 : vector<16xf32>
      %parallel_loop3A_200 = arith.mulf %parallel_loop3A_199, %parallel_loop3A_198 : vector<16xf32>
      %parallel_loop3A_201 = arith.addf %parallel_loop3A_194, %parallel_loop3A_200 : vector<16xf32>
      %parallel_loop3A_202 = arith.constant 72 : i32
      %parallel_loop3A_203 = vector.broadcast %parallel_loop3A_202 : i32 to vector<16xi32>
      %parallel_loop3A_204 = arith.addi %parallel_loop3A_140, %parallel_loop3A_203 : vector<16xi32>
      %parallel_loop3A_205 = tpu.vector_load_idx %arg5[%parallel_loop3A_204] : memref<4096xf32, #tpu.memory_space<vmem>>[vector<16xi32>], vector<16xf32>,
      %parallel_loop3A_206 = arith.mulf %parallel_loop3A_154, %parallel_loop3A_159 : vector<16xf32>
      %parallel_loop3A_207 = arith.mulf %parallel_loop3A_206, %parallel_loop3A_205 : vector<16xf32>
      %parallel_loop3A_208 = arith.addf %parallel_loop3A_201, %parallel_loop3A_207 : vector<16xf32>
      %parallel_loop3A_209 = arith.constant 73 : i32
      %parallel_loop3A_210 = vector.broadcast %parallel_loop3A_209 : i32 to vector<16xi32>
      %parallel_loop3A_211 = arith.addi %parallel_loop3A_140, %parallel_loop3A_210 : vector<16xi32>
      %parallel_loop3A_212 = tpu.vector_load_idx %arg5[%parallel_loop3A_211] : memref<4096xf32, #tpu.memory_space<vmem>>[vector<16xi32>], vector<16xf32>,
      %parallel_loop3A_213 = arith.mulf %parallel_loop3A_154, %parallel_loop3A_160 : vector<16xf32>
      %parallel_loop3A_214 = arith.mulf %parallel_loop3A_213, %parallel_loop3A_212 : vector<16xf32>
      %parallel_loop3A_215 = arith.addf %parallel_loop3A_208, %parallel_loop3A_214 : vector<16xf32>
      %parallel_loop3A_216 = arith.constant 512 : i32
      %parallel_loop3A_217 = vector.broadcast %parallel_loop3A_216 : i32 to vector<16xi32>
      %parallel_loop3A_218 = arith.addi %parallel_loop3A_140, %parallel_loop3A_217 : vector<16xi32>
      %parallel_loop3A_219 = tpu.vector_load_idx %arg5[%parallel_loop3A_218] : memref<4096xf32, #tpu.memory_space<vmem>>[vector<16xi32>], vector<16xf32>,
      %parallel_loop3A_220 = arith.mulf %parallel_loop3A_155, %parallel_loop3A_157 : vector<16xf32>
      %parallel_loop3A_221 = arith.mulf %parallel_loop3A_220, %parallel_loop3A_219 : vector<16xf32>
      %parallel_loop3A_222 = arith.addf %parallel_loop3A_215, %parallel_loop3A_221 : vector<16xf32>
      %parallel_loop3A_223 = arith.constant 513 : i32
      %parallel_loop3A_224 = vector.broadcast %parallel_loop3A_223 : i32 to vector<16xi32>
      %parallel_loop3A_225 = arith.addi %parallel_loop3A_140, %parallel_loop3A_224 : vector<16xi32>
      %parallel_loop3A_226 = tpu.vector_load_idx %arg5[%parallel_loop3A_225] : memref<4096xf32, #tpu.memory_space<vmem>>[vector<16xi32>], vector<16xf32>,
      %parallel_loop3A_227 = arith.mulf %parallel_loop3A_155, %parallel_loop3A_158 : vector<16xf32>
      %parallel_loop3A_228 = arith.mulf %parallel_loop3A_227, %parallel_loop3A_226 : vector<16xf32>
      %parallel_loop3A_229 = arith.addf %parallel_loop3A_222, %parallel_loop3A_228 : vector<16xf32>
      %parallel_loop3A_230 = arith.constant 520 : i32
      %parallel_loop3A_231 = vector.broadcast %parallel_loop3A_230 : i32 to vector<16xi32>
      %parallel_loop3A_232 = arith.addi %parallel_loop3A_140, %parallel_loop3A_231 : vector<16xi32>
      %parallel_loop3A_233 = tpu.vector_load_idx %arg5[%parallel_loop3A_232] : memref<4096xf32, #tpu.memory_space<vmem>>[vector<16xi32>], vector<16xf32>,
      %parallel_loop3A_234 = arith.mulf %parallel_loop3A_155, %parallel_loop3A_159 : vector<16xf32>
      %parallel_loop3A_235 = arith.mulf %parallel_loop3A_234, %parallel_loop3A_233 : vector<16xf32>
      %parallel_loop3A_236 = arith.addf %parallel_loop3A_229, %parallel_loop3A_235 : vector<16xf32>
      %parallel_loop3A_237 = arith.constant 521 : i32
      %parallel_loop3A_238 = vector.broadcast %parallel_loop3A_237 : i32 to vector<16xi32>
      %parallel_loop3A_239 = arith.addi %parallel_loop3A_140, %parallel_loop3A_238 : vector<16xi32>
      %parallel_loop3A_240 = tpu.vector_load_idx %arg5[%parallel_loop3A_239] : memref<4096xf32, #tpu.memory_space<vmem>>[vector<16xi32>], vector<16xf32>,
      %parallel_loop3A_241 = arith.mulf %parallel_loop3A_155, %parallel_loop3A_160 : vector<16xf32>
      %parallel_loop3A_242 = arith.mulf %parallel_loop3A_241, %parallel_loop3A_240 : vector<16xf32>
      %parallel_loop3A_243 = arith.addf %parallel_loop3A_236, %parallel_loop3A_242 : vector<16xf32>
      %parallel_loop3A_244 = arith.constant 576 : i32
      %parallel_loop3A_245 = vector.broadcast %parallel_loop3A_244 : i32 to vector<16xi32>
      %parallel_loop3A_246 = arith.addi %parallel_loop3A_140, %parallel_loop3A_245 : vector<16xi32>
      %parallel_loop3A_247 = tpu.vector_load_idx %arg5[%parallel_loop3A_246] : memref<4096xf32, #tpu.memory_space<vmem>>[vector<16xi32>], vector<16xf32>,
      %parallel_loop3A_248 = arith.mulf %parallel_loop3A_156, %parallel_loop3A_157 : vector<16xf32>
      %parallel_loop3A_249 = arith.mulf %parallel_loop3A_248, %parallel_loop3A_247 : vector<16xf32>
      %parallel_loop3A_250 = arith.addf %parallel_loop3A_243, %parallel_loop3A_249 : vector<16xf32>
      %parallel_loop3A_251 = arith.constant 577 : i32
      %parallel_loop3A_252 = vector.broadcast %parallel_loop3A_251 : i32 to vector<16xi32>
      %parallel_loop3A_253 = arith.addi %parallel_loop3A_140, %parallel_loop3A_252 : vector<16xi32>
      %parallel_loop3A_254 = tpu.vector_load_idx %arg5[%parallel_loop3A_253] : memref<4096xf32, #tpu.memory_space<vmem>>[vector<16xi32>], vector<16xf32>,
      %parallel_loop3A_255 = arith.mulf %parallel_loop3A_156, %parallel_loop3A_158 : vector<16xf32>
      %parallel_loop3A_256 = arith.mulf %parallel_loop3A_255, %parallel_loop3A_254 : vector<16xf32>
      %parallel_loop3A_257 = arith.addf %parallel_loop3A_250, %parallel_loop3A_256 : vector<16xf32>
      %parallel_loop3A_258 = arith.constant 584 : i32
      %parallel_loop3A_259 = vector.broadcast %parallel_loop3A_258 : i32 to vector<16xi32>
      %parallel_loop3A_260 = arith.addi %parallel_loop3A_140, %parallel_loop3A_259 : vector<16xi32>
      %parallel_loop3A_261 = tpu.vector_load_idx %arg5[%parallel_loop3A_260] : memref<4096xf32, #tpu.memory_space<vmem>>[vector<16xi32>], vector<16xf32>,
      %parallel_loop3A_262 = arith.mulf %parallel_loop3A_156, %parallel_loop3A_159 : vector<16xf32>
      %parallel_loop3A_263 = arith.mulf %parallel_loop3A_262, %parallel_loop3A_261 : vector<16xf32>
      %parallel_loop3A_264 = arith.addf %parallel_loop3A_257, %parallel_loop3A_263 : vector<16xf32>
      %parallel_loop3A_265 = arith.constant 585 : i32
      %parallel_loop3A_266 = vector.broadcast %parallel_loop3A_265 : i32 to vector<16xi32>
      %parallel_loop3A_267 = arith.addi %parallel_loop3A_140, %parallel_loop3A_266 : vector<16xi32>
      %parallel_loop3A_268 = tpu.vector_load_idx %arg5[%parallel_loop3A_267] : memref<4096xf32, #tpu.memory_space<vmem>>[vector<16xi32>], vector<16xf32>,
      %parallel_loop3A_269 = arith.mulf %parallel_loop3A_156, %parallel_loop3A_160 : vector<16xf32>
      %parallel_loop3A_270 = arith.mulf %parallel_loop3A_269, %parallel_loop3A_268 : vector<16xf32>
      %parallel_loop3A_271 = arith.addf %parallel_loop3A_264, %parallel_loop3A_270 : vector<16xf32>
      %parallel_loop3A_272 = arith.index_cast %parallel_loop3A_64 : i32 to index
      %parallel_loop3A_273 = tpu.vector_load %arg6[%parallel_loop3A_272] {strides = array<i32>} : memref<256xf32, #tpu.memory_space<vmem>>, vector<16xf32>,
      tpu.vector_store %arg6[%parallel_loop3A_272], %parallel_loop3A_271 {strides = array<i32>} : memref<256xf32, #tpu.memory_space<vmem>>, vector<16xf32>,
    } {sc.loop_unroll_factor = 1 : i64, sc.parallel_access}
    "tpu.region"() ({
      %run_scoped3A = tpu.sem_alloc : memref<!tpu.dma_semaphore, #tpu.memory_space<semaphore_mem>>
      %dma_start3A_64 = tpu.memref_slice %arg3[%mul3A_0] : memref<4096xf32, #tpu.memory_space<hbm>> -> memref<256xf32, #tpu.memory_space<hbm>>
      %dma_start3A_65 = tpu.memref_slice %arg3[%mul3A_0] : memref<4096xf32, #tpu.memory_space<hbm>> -> memref<256xf32, #tpu.memory_space<hbm>>
      tpu.enqueue_dma source(%arg6 : memref<256xf32, #tpu.memory_space<vmem>>) target(%dma_start3A_65 : memref<256xf32, #tpu.memory_space<hbm>>) target_semaphore(%run_scoped3A : memref<!tpu.dma_semaphore, #tpu.memory_space<semaphore_mem>>)
      %dma_wait3A_66 = tpu.memref_slice %arg3[%mul3A_0] : memref<4096xf32, #tpu.memory_space<hbm>> -> memref<256xf32, #tpu.memory_space<hbm>>
      %dma_wait3A_67 = tpu.memref_slice %arg3[%mul3A_0] : memref<4096xf32, #tpu.memory_space<hbm>> -> memref<256xf32, #tpu.memory_space<hbm>>
      tpu.wait_dma2 semaphore(%run_scoped3A : memref<!tpu.dma_semaphore, #tpu.memory_space<semaphore_mem>>) src(%arg6 : memref<256xf32, #tpu.memory_space<vmem>>) dst(%dma_wait3A_67 : memref<256xf32, #tpu.memory_space<hbm>>)
      tpu.yield
    }) : () -> ()
    return
  }
}

</mosaic_0001>

<sc_bundles>
// kernel: kernel.4.cloned.1.call-start
scs
__scs_entry_jumppad:
0x0: {  	(pc) =	sbr.rel $0x88, $3  }
0x1: {  	(tag) =	ssettag $0x0;
	lr =	simm.s32 $0x1  }
0x2: {  	[smem:$0x3F9F] =	sst lr;
	_ =	strace $0xD0000000  }
0x3: {  	_ = 	snop  }
0x4: {  	_ = 	snop  }
0x5: {  	_ = 	snop  }
0x6: {  	_ = 	snop  }
0x7: {  	_ = 	snop  }
__scs_overlays_trampoline_lowered:
0x8: {  	[smem:$0x3FAE] =	sst s0  }
0x9: {  	[smem:$0x3FAF] =	sst s1  }
0xa: {  	[smem:$0x3FB0] =	sst s2  }
0xb: {  	[smem:$0x3FB1] =	sst s3  }
0xc: {  	[smem:$0x3FB2] =	sst s4  }
0xd: {  	[smem:$0x3FB3] =	sst s5  }
0xe: {  	[smem:$0x3FB4] =	sst s6  }
0xf: {  	[smem:$0x3FB5] =	sst s7  }
0x10: {  	[smem:$0x3FB6] =	sst s8  }
0x11: {  	[smem:$0x3FB7] =	sst s9;
	s0 =	simm.s32 @!p0 $0x0  }
0x12: {  	s1 =	sld [smem:$0x3F9D];
	s0 =	simm.s32 @p0 $0x1  }
0x13: {  	[smem:$0x3FB8] =	sst s0;
	s0 =	simm.s32 @!p1 $0x0  }
0x14: {  	s2 =	sld [smem:$0x3F9C];
	s0 =	simm.s32 @p1 $0x1  }
0x15: {  	[smem:$0x3FB9] =	sst s0;
	s0 =	simm.s32 @!p2 $0x0  }
0x16: {  	s3 =	sld [smem:$0x3FDB];
	s0 =	simm.s32 @p2 $0x1  }
0x17: {  	s4 =	simm.s32 $0x1BF5;
	[smem:$0x3FBB] =	sst s0  }
0x18: {  	s0 =	sld [smem:$0x3F9E];
	_ =	swait.ge [sflag:s4], $0x0  }
0x19: {  	s7 =	sld [smem:$0x3F9F]  }
0x1a: {  	s8 =	sadd.s32 $0xFFFFE003, lr  }
0x1b: {  	s9 =	sadd.s32 $0xFFFFFEF7, lr;
	s5 =	simm.s32 $0xFFFFFFFF;
	p2 =	slt.u32 s8, $0xFFFFF086  }
0x1c: {  	p1 =	slt.u32 s9, $0xF7A;
	s5 =	simm.s32 @!p2 $0x0  }
0x1d: {  	s5 =	simm.s32 @p1 $0x1;
	p0 =	seq.s32 s7, s2  }
0x1e: {  	s7 =	smul.u32 @!p0 $0xF7A, s2;
	p2 =	seq.s32 @!p0 s5, $0x0  }
0x1f: {  	s9 =	smul.u32 $0xF7A, s1;
	s8 =	simm.s32 @!p0 $0x1BF5;
	p2 =	por !p2, p0  }
0x20: {  	[sflag:s8] =	ssyncset.s32 @!p0 $0xFFFFF086;
	s6 =	sadd.s32 @!p0 s3, s7;
	s7 =	simm.s32 @!p0 $0x108  }
0x21: {  	s3 =	sadd.s32 s3, s9;
	s6 =	sadd.s32 @!p0 $0x88, s6;
	s7 =	simm.s32 @p2 $0x1082  }
0x22: {  	[simem:s7], [sflag:s8] =	dma.local @!p0 [hbm:s6], $0xF7A  }
0x23: {  	s9 =	sor.u32 $0xD0000000, s2;
	s6 =	simm.s32 $0x108;
	_ =	swait.ge @!p0 [sflag:s8], $0x0  }
0x24: {  	s3 =	sadd.s32 $0x88, s3;
	s6 =	simm.s32 @!p1 $0x1082;
	[sflag:s4] =	ssyncset.s32 $0xFFFFF086  }
0x25: {  	[simem:s6], [sflag:s4] =	dma.local [hbm:s3], $0xF7A  }
0x26: {  	[smem:$0x3F9F] =	sst s1;
	(tag) =	ssettag s2;
	_ =	strace s9  }
0x27: {  	s1 =	sld [smem:$0x3FAF]  }
0x28: {  	s2 =	sld [smem:$0x3FB0]  }
0x29: {  	s4 =	sld [smem:$0x3FB2]  }
0x2a: {  	p0 =	seq.s32 s5, $0x0;
	s5 =	sld [smem:$0x3FB3]  }
0x2b: {  	s6 =	sld [smem:$0x3FB4]  }
0x2c: {  	s7 =	sld [smem:$0x3FB5]  }
0x2d: {  	s3 =	simm.s32 $0x108;
	s8 =	sld [smem:$0x3FB6]  }
0x2e: {  	s3 =	simm.s32 @!p0 $0x1082;
	s9 =	sld [smem:$0x3FB7]  }
0x2f: {  	lr =	sadd.s32 s0, s3;
	s0 =	sld [smem:$0x3FAE]  }
0x30: {  	s3 =	sld [smem:$0x3FB1]  }
0x31: {  	[smem:$0x3FBA] =	sst s10  }
0x32: {  	s10 =	sld [smem:$0x3FB8];
	_ =	sdelay $0x3  }
0x33: {  	p0 =	seq.s32 s10, $0x1;
	s10 =	sld [smem:$0x3FBA];
	_ =	sdelay $0x3  }
0x34: {  	[smem:$0x3FBA] =	sst s10  }
0x35: {  	s10 =	sld [smem:$0x3FB9];
	_ =	sdelay $0x3  }
0x36: {  	p1 =	seq.s32 s10, $0x1;
	s10 =	sld [smem:$0x3FBA];
	_ =	sdelay $0x3  }
0x37: {  	[smem:$0x3FBA] =	sst s10  }
0x38: {  	s10 =	sld [smem:$0x3FBB]  }
0x39: {  	_ = 	snop;
	(pc) =	sbr.ind lr, $3  }
0x3a: {  	_ = 	snop  }
0x3b: {  	_ = 	snop  }
0x3c: {  	p2 =	seq.s32 s10, $0x1;
	s10 =	sld [smem:$0x3FBA]  }
0x3d: {  	_ =	shalt  }
0x3e: {  	_ =	shalt  }
0x3f: {  	_ =	shalt  }
0x40: {  	_ =	shalt  }
0x41: {  	_ =	shalt  }
0x42: {  	_ =	shalt  }
0x43: {  	_ =	shalt  }
0x44: {  	_ =	shalt  }
0x45: {  	_ =	shalt  }
0x46: {  	_ =	shalt  }
0x47: {  	_ =	shalt  }
0x48: {  	_ =	shalt  }
0x49: {  	_ =	shalt  }
0x4a: {  	_ =	shalt  }
0x4b: {  	_ =	shalt  }
0x4c: {  	_ =	shalt  }
0x4d: {  	_ =	shalt  }
0x4e: {  	_ =	shalt  }
0x4f: {  	_ =	shalt  }
0x50: {  	_ =	shalt  }
0x51: {  	_ =	shalt  }
0x52: {  	_ =	shalt  }
0x53: {  	_ =	shalt  }
0x54: {  	_ =	shalt  }
0x55: {  	_ =	shalt  }
0x56: {  	_ =	shalt  }
0x57: {  	_ =	shalt  }
0x58: {  	_ =	shalt  }
0x59: {  	_ =	shalt  }
0x5a: {  	_ =	shalt  }
0x5b: {  	_ =	shalt  }
0x5c: {  	_ =	shalt  }
0x5d: {  	_ =	shalt  }
0x5e: {  	_ =	shalt  }
0x5f: {  	_ =	shalt  }
0x60: {  	_ =	shalt  }
0x61: {  	_ =	shalt  }
0x62: {  	_ =	shalt  }
0x63: {  	_ =	shalt  }
0x64: {  	_ =	shalt  }
0x65: {  	_ =	shalt  }
0x66: {  	_ =	shalt  }
0x67: {  	_ =	shalt  }
0x68: {  	_ =	shalt  }
0x69: {  	_ =	shalt  }
0x6a: {  	_ =	shalt  }
0x6b: {  	_ =	shalt  }
0x6c: {  	_ =	shalt  }
0x6d: {  	_ =	shalt  }
0x6e: {  	_ =	shalt  }
0x6f: {  	_ =	shalt  }
0x70: {  	_ =	shalt  }
0x71: {  	_ =	shalt  }
0x72: {  	_ =	shalt  }
0x73: {  	_ =	shalt  }
0x74: {  	_ =	shalt  }
0x75: {  	_ =	shalt  }
0x76: {  	_ =	shalt  }
0x77: {  	_ =	shalt  }
0x78: {  	_ =	shalt  }
0x79: {  	_ =	shalt  }
0x7a: {  	_ =	shalt  }
0x7b: {  	_ =	shalt  }
0x7c: {  	_ =	shalt  }
0x7d: {  	_ =	shalt  }
0x7e: {  	_ =	shalt  }
0x7f: {  	_ =	shalt  }
0x80: {  	_ =	shalt  }
0x81: {  	_ =	shalt  }
0x82: {  	_ =	shalt  }
0x83: {  	_ =	shalt  }
0x84: {  	_ =	shalt  }
0x85: {  	_ =	shalt  }
0x86: {  	_ =	shalt  }
0x87: {  	_ =	shalt  }
.Lfunc_end0:
.L_simem_size_0:
called_computation_lowered:
.L_overlay_start_0:
0x88: {  	s0 =	sld [smem:$0x3FD9]  }
0x89: {  	s1 =	sld [smem:$0x3FFE];
	_ =	sdelay $0x3  }
0x8a: {  	s0 =	sadd.s32 s1, s0  }
0x8b: {  	[smem:$0x3FC6] =	sst s0  }
0x8c: {  	_ = 	snop  }
0x8d: {  	s0 =	sld [smem:$0x3FD0];
	(tm) =	ssettm $0x1  }
0x8e: {  	s16 =	sld [smem:$0x3FFB];
	_ =	sdelay $0x3  }
0x8f: {  	_ =	strace s16  }
0x90: {  	s1 =	sld [smem:$0x3FFC];
	_ =	sdelay $0x3  }
0x91: {  	_ =	strace s1  }
0x92: {  	s1 =	sld [smem:$0x3FFD];
	_ =	sdelay $0x3  }
0x93: {  	_ =	strace s1  }
0x94: {  	_ =	strace $0x8FFFFFFF  }
0x95: {  	s17 =	sld [smem:$0x3FDB];
	_ =	sdelay $0x1  }
0x96: {  	s2 =	simm.s32 $_scs_section_size  }
0x97: {  	s3 =	simm.s32 $_size__tile_overlayer_lowered;
	s4 =	simm.s32 $_tile_overlayer_lowered  }
0x98: {  	s20 =	simm.s32 $0x1BFF;
	s19 =	sshll.u32 s4, $0x1;
	s1 =	sadd.s32 s2, s17  }
0x99: {  	s5 =	simm.s32 $0x0;
	s18 =	sshll.u32 s3, $0x1;
	s3 =	sadd.s32 s19, s1  }
0x9a: {  	[timem:s5], [sflag:s20] =	dma.local [hbm:s3], s18  }
0x9b: {  	_ =	swait.ge [sflag:s20], s18  }
0x9c: {  	s2 =	ssub.s32 $0x0, s18;
	[sflag:s20] =	ssyncset.done $0x0  }
0x9d: {  	[sflag:s20] =	ssyncadd.s32 s2;
	_ =	sdelay $0x1  }
0x9e: {  	s21 =	simm.s32 $0x1B8B  }
0x9f: {  	_ =	swait.ge [sflag:s21], $0x1  }
0xa0: {  	[sflag:s21] =	ssyncset.done $0x0  }
0xa1: {  	s23 =	simm.s32 $0x1B8E;
	s22 =	sld [smem:$0x3FFE];
	[sflag:s21] =	ssyncadd.s32 $0xFFFFFFFF  }
0xa2: {  	s24 =	simm.s32 $execute0_lowered;
	[smem:$0x3FD2] =	sst s23  }
0xa3: {  	s3 =	sshll.u32 s24, $0x1;
	_ =	strace $0x80000046;
	[dreg:$0x1] =	wrdreg $0xFFFFFFFF  }
0xa4: {  	s25 =	simm.s32 $_size_execute0_lowered;
	s1 =	sadd.s32 s1, s3;
	[dreg:$0x0] =	wrdreg $0x0  }
0xa5: {  	s3 =	sshll.u32 s25, $0x1;
	[dreg:$0x2] =	wrdreg s1  }
0xa6: {  	[dreg:$0x3] =	wrdreg s3  }
0xa7: {  	[dreg:$0x4] =	wrdreg $0xC0  }
0xa8: {  	_ =	task [dreg:s5], $0x5FFFF  }
0xa9: {  	[dreg:$0x1] =	wrdreg $0xFFFFFFFF  }
0xaa: {  	[dreg:$0x0] =	wrdreg $0x60  }
0xab: {  	[dreg:$0x2] =	wrdreg s22  }
0xac: {  	[dreg:$0x3] =	wrdreg s0  }
0xad: {  	[dreg:$0x4] =	wrdreg $0x9  }
0xae: {  	_ =	task.clear_ibuf [dreg:s5], $0x5FFFF;
	_ =	strace $0x90000046  }
0xaf: {  	s26 =	simm.s32 $0x9;
	_ =	strace $0x80000048  }
0xb0: {  	_ =	swait.ge [sflag:s26], $0x1  }
0xb1: {  	[sflag:s26] =	ssyncadd.s32 $0xFFFFFFFF  }
0xb2: {  	_ =	strace $0x90000048  }
0xb3: {  	_ =	sfence  }
0xb4: {  	s28 =	sld [smem:$0x0];
	_ =	sdelay $0x1  }
0xb5: {  	s29 =	srdreg.scid  }
0xb6: {  	s30 =	sshll.u32 s29, $0xD;
	s31 =	sshrl.u32 s29, $0x2  }
0xb7: {  	s2 =	sand.u32 $0x4000, s30;
	s1 =	sand.u32 $0x1, s29;
	s0 =	sadd.s32 s31, s28  }
0xb8: {  	s1 =	sor.u32 s2, s1;
	s0 =	sshll.u32 s0, $0x11  }
0xb9: {  	s0 =	sor.u32 s0, s1  }
0xba: {  	s0 =	sadd.s32 $0x8F2B, s0  }
0xbb: {  	[sflag:s0] =	ssyncadd.remote.s32 $0x1  }
0xbc: {  	_ =	sfence.sel $0xFFFF  }
0xbd: {  	[dreg:$0x0] =	wrdreg $0xFFFFFFFF;
	(pc) =	sbr.abs _section_cstart, $3  }
0xbe: {  	[dreg:$0x1] =	wrdreg $0xFFFFFFFF  }
0xbf: {  	_ =	task.clear_ibuf [dreg:s5], $0x2FFFF;
	_ =	strace $0x9FFFFFFF  }
0xc0: {  	(tm) =	ssettm $0x7FFFFFFF  }
0xc1: {  	_ =	shalt  }
tec
execute0_lowered:
.L_overlay_start_1:
0x0: {  	(tag) =	ssettag $0x1  }
0x1: {  	s4 =	rddreg [dreg:$0x0]  }
0x2: {  	s2 =	rddreg [dreg:$0x1]  }
0x3: {  	s0 =	rddreg [dreg:$0x2];
	s5 =	simm.s32 $0x0;
	s1 =	stileid.u32  }
0x4: {  	[smem:$0x7FF] =	sst s5;
	s3 =	sshll.u32 s1, $0x5;
	s7 =	sadd.s32 $0xE00, s4  }
0x5: {  	_ =	strace $0x80000047;
	s6 =	sadd.s32 s3, s4;
	s4 =	simm.s32 $0x400  }
0x6: {  	[tilespmem:s4], [sflag:$0x1] =	stream.linear.gather [hbm4b:s7+s5], $0x1000, $0x38;
	[tilespmem:$0x1500] =	vst v63  }
0x7: {  	s18 =	sadd.s32 $0x600, s6  }
0x8: {  	[tilespmem:s5], [sflag:$0x1] =	stream.linear.gather [hbm4b:s18+s5], $0x100, $0x38;
	[tilespmem:$0x1500] =	vst v63  }
0x9: {  	s8 =	simm.s32 $0x100;
	s19 =	sadd.s32 $0x800, s6  }
0xa: {  	[tilespmem:s8], [sflag:$0x1] =	stream.linear.gather [hbm4b:s19+s5], $0x100, $0x38;
	[tilespmem:$0x1500] =	vst v63  }
0xb: {  	s21 =	simm.s32 $0x200;
	s20 =	sadd.s32 $0xA00, s6  }
0xc: {  	[tilespmem:s21], [sflag:$0x1] =	stream.linear.gather [hbm4b:s20+s5], $0x100, $0x38;
	[tilespmem:$0x1500] =	vst v63  }
0xd: {  	s22 =	simm.s32 $0x300;
	s23 =	simm.s32 $0x1;
	s6 =	sadd.s32 $0xC00, s6  }
0xe: {  	[tilespmem:s22], [sflag:$0x1] =	stream.linear.gather [hbm4b:s6+s5], $0x100, $0x38;
	[tilespmem:$0x1500] =	vst v63  }
0xf: {  	_ =	swait.ge [sflag:s23], $0x1000  }
0x10: {  	[sflag:s23] =	ssyncset.done $0x0  }
0x11: {  	[sflag:s23] =	ssyncadd.s32 $0xFFFFF000  }
0x12: {  	_ =	swait.ge [sflag:s23], $0x100  }
0x13: {  	[sflag:s23] =	ssyncset.done $0x0  }
0x14: {  	[sflag:s23] =	ssyncadd.s32 $0xFFFFFF00  }
0x15: {  	_ =	swait.ge [sflag:s23], $0x100  }
0x16: {  	[sflag:s23] =	ssyncset.done $0x0  }
0x17: {  	[sflag:s23] =	ssyncadd.s32 $0xFFFFFF00  }
0x18: {  	_ =	swait.ge [sflag:s23], $0x100  }
0x19: {  	[sflag:s23] =	ssyncset.done $0x0  }
0x1a: {  	[sflag:s23] =	ssyncadd.s32 $0xFFFFFF00  }
0x1b: {  	_ =	swait.ge [sflag:s23], $0x100  }
0x1c: {  	[sflag:s23] =	ssyncset.done $0x0  }
0x1d: {  	s24 =	simm.s32 $0x0;
	[sflag:s23] =	ssyncadd.s32 $0xFFFFFF00  }
0x1e: {  	s25 =	sand.u32 $0xF0, s24;
	v0 =	vld [tilespmem:s5+$0x0]  }
0x1f: {  	v1 =	vld [tilespmem:s25+$0x100]  }
0x20: {  	v2 =	vld [tilespmem:s25+$0x200]  }
0x21: {  	v3 =	vld [tilespmem:s25+$0x300];
	_ =	sdelay $0x3  }
0x22: {  	v0 =	vmax.f32 v0, $0.0e+00;
	v1 =	vmax.f32 v1, $0.0e+00;
	v2 =	vmax.f32 v2, $0.0e+00  }
0x23: {  	v3 =	vmax.f32 v3, $0.0e+00;
	v0 =	vmin.f32 v0, $7.000000000e+00;
	v1 =	vmin.f32 v1, $7.000000000e+00  }
0x24: {  	v2 =	vmin.f32 v2, $7.000000000e+00;
	v4 =	vtrunc.f32 v0;
	v5 =	vtrunc.f32 v1  }
0x25: {  	v3 =	vmin.f32 v3, $7.000000000e+00;
	v4 =	vcvt.f32.s32 v4;
	v5 =	vcvt.f32.s32 v5  }
0x26: {  	v6 =	vtrunc.f32 v2;
	v7 =	vtrunc.f32 v3  }
0x27: {  	v6 =	vcvt.f32.s32 v6;
	vm0 =	vlt.s32 v4, $0x6;
	vm1 =	vlt.s32 v5, $0x6  }
0x28: {  	s28 =	simm.s32 $0x10;
	v7 =	vcvt.f32.s32 v7;
	v4 =	vnsel vm0, $0x6, v4;
	v5 =	vnsel vm1, $0x6, v5  }
0x29: {  	s29 =	sand.u32 $0xF0, s28;
	vm6 =	vlt.s32 v6, $0x6;
	v8 =	vshll.u32 v4, $0x6;
	v9 =	vshll.u32 v5, $0x3  }
0x2a: {  	v17 =	vld [tilespmem:s29+$0x100];
	v6 =	vnsel vm6, $0x6, v6;
	v8 =	vadd.s32 v8, v9  }
0x2b: {  	vm7 =	vlt.s32 v7, $0x6;
	v8 =	vadd.s32 v6, v8  }
0x2c: {  	v7 =	vnsel vm7, $0x6, v7;
	v8 =	vshll.u32 v8, $0x3  }
0x2d: {  	v4 =	vcvt.s32.f32 v4;
	v5 =	vcvt.s32.f32 v5;
	v8 =	vadd.s32 v7, v8  }
0x2e: {  	v6 =	vcvt.s32.f32 v6;
	v7 =	vcvt.s32.f32 v7;
	v10 =	vadd.s32 $0x1, v8  }
0x2f: {  	s26 =	simm.s32 $0x10;
	v17 =	vmax.f32 v17, $0.0e+00;
	v0 =	vsub.f32 v0, v4;
	v1 =	vsub.f32 v1, v5  }
0x30: {  	v9 =	vld [tilespmem:s26+$0x0];
	v2 =	vsub.f32 v2, v6;
	v5 =	vadd.s32 $0x8, v8;
	v3 =	vsub.f32 v3, v7  }
0x31: {  	v4 =	vld [tilespmem:s29+$0x300];
	v11 =	vsub.f32 $1.000000000e+00, v1;
	v13 =	vadd.s32 $0x9, v8;
	v7 =	vsub.f32 $1.000000000e+00, v0  }
0x32: {  	v18 =	vadd.s32 $0x40, v8;
	v14 =	vsub.f32 $1.000000000e+00, v2;
	v15 =	vsub.f32 $1.000000000e+00, v3;
	v12 =	vld.idx.msk [tilespmem:v8+s4+$0x0], $0xffff  }
0x33: {  	v20 =	vadd.s32 $0x41, v8;
	v23 =	vadd.s32 $0x48, v8;
	v16 =	vmul.f32 v11, v7;
	v10 =	vld.idx.msk [tilespmem:v10+s4+$0x0], $0xffff  }
0x34: {  	v6 =	vld [tilespmem:s29+$0x200];
	v61 =	vadd.s32 $0x200, v8;
	v19 =	vmul.f32 v15, v14;
	v14 =	vmul.f32 v3, v14  }
0x35: {  	v28 =	vadd.s32 $0x201, v8;
	v24 =	vadd.s32 $0x208, v8;
	v5 =	vld.idx.msk [tilespmem:v5+s4+$0x0], $0xffff;
	v15 =	vmul.f32 v15, v2  }
0x36: {  	v30 =	vadd.s32 $0x240, v8;
	v21 =	vmul.f32 v19, v16;
	v22 =	vmul.f32 v14, v16  }
0x37: {  	v25 =	vadd.s32 $0x248, v8;
	v13 =	vld.idx.msk [tilespmem:v13+s4+$0x0], $0xffff;
	v2 =	vmul.f32 v3, v2;
	v3 =	vmul.f32 v15, v16  }
0x38: {  	s5 =	simm.s32 $0x20;
	v9 =	vmax.f32 v9, $0.0e+00;
	v12 =	vmul.f32 v21, v12;
	v10 =	vmul.f32 v22, v10  }
0x39: {  	s31 =	sand.u32 $0xF0, s5;
	v4 =	vmax.f32 v4, $0.0e+00;
	v7 =	vmul.f32 v1, v7;
	v6 =	vmax.f32 v6, $0.0e+00;
	v18 =	vld.idx.msk [tilespmem:v18+s4+$0x0], $0xffff  }
0x3a: {  	v47 =	vld [tilespmem:s31+$0x100];
	v3 =	vmul.f32 v3, v5;
	v5 =	vmul.f32 v2, v16;
	v10 =	vadd.f32 v12, v10  }
0x3b: {  	v9 =	vmin.f32 v9, $7.000000000e+00;
	v6 =	vmin.f32 v6, $7.000000000e+00;
	v16 =	vld.idx.msk [tilespmem:v20+s4+$0x0], $0xffff;
	v12 =	vadd.s32 $0x49, v8  }
0x3c: {  	v5 =	vmul.f32 v5, v13;
	v3 =	vadd.f32 v10, v3;
	v10 =	vmul.f32 v19, v7  }
0x3d: {  	v60 =	vtrunc.f32 v9;
	v4 =	vmin.f32 v4, $7.000000000e+00;
	v27 =	vtrunc.f32 v6  }
0x3e: {  	v62 =	vld.idx.msk [tilespmem:v23+s4+$0x0], $0xffff;
	v3 =	vadd.f32 v3, v5;
	v5 =	vmul.f32 v10, v18;
	v10 =	vmul.f32 v14, v7  }
0x3f: {  	v63 =	vcvt.f32.s32 v60;
	v23 =	vmax.f32 v47, $0.0e+00;
	v21 =	vcvt.f32.s32 v27  }
0x40: {  	v13 =	vmin.f32 v17, $7.000000000e+00;
	v12 =	vld.idx.msk [tilespmem:v12+s4+$0x0], $0xffff;
	v3 =	vadd.f32 v3, v5;
	v5 =	vmul.f32 v10, v16  }
0x41: {  	vm8 =	vlt.s32 v63, $0x6;
	v10 =	vmul.f32 v15, v7;
	v16 =	vtrunc.f32 v13  }
0x42: {  	v20 =	vld.idx.msk [tilespmem:v61+s4+$0x0], $0xffff;
	vm10 =	vlt.s32 v21, $0x6;
	v7 =	vmul.f32 v2, v7;
	v16 =	vcvt.f32.s32 v16  }
0x43: {  	v3 =	vadd.f32 v3, v5;
	v5 =	vmul.f32 v10, v62;
	v10 =	vmul.f32 v11, v0  }
0x44: {  	v29 =	vld.idx.msk [tilespmem:v28+s4+$0x0], $0xffff;
	v17 =	vtrunc.f32 v4;
	v11 =	vadd.s32 $0x209, v8;
	vm9 =	vlt.s32 v16, $0x6  }
0x45: {  	v3 =	vadd.f32 v3, v5;
	v5 =	vmul.f32 v12, v7;
	v7 =	vmul.f32 v19, v10  }
0x46: {  	v18 =	vnsel vm8, $0x6, v63;
	v12 =	vadd.s32 $0x241, v8;
	v16 =	vnsel vm9, $0x6, v16  }
0x47: {  	v24 =	vld.idx.msk [tilespmem:v24+s4+$0x0], $0xffff;
	v3 =	vadd.f32 v3, v5;
	v5 =	vmul.f32 v20, v7;
	v7 =	vmul.f32 v14, v10  }
0x48: {  	v32 =	vld.idx.msk [tilespmem:v30+s4+$0x0], $0xffff;
	v0 =	vmul.f32 v1, v0;
	v1 =	vadd.s32 $0x249, v8;
	v33 =	vshll.u32 v16, $0x3  }
0x49: {  	v16 =	vcvt.s32.f32 v16;
	v11 =	vld.idx.msk [tilespmem:v11+s4+$0x0], $0xffff;
	v3 =	vadd.f32 v3, v5;
	v5 =	vmul.f32 v29, v7  }
0x4a: {  	v31 =	vshll.u32 v18, $0x6;
	v7 =	vmul.f32 v15, v10;
	v15 =	vmul.f32 v15, v0  }
0x4b: {  	v34 =	vadd.s32 v31, v33;
	v8 =	vld.idx.msk [tilespmem:v12+s4+$0x0], $0xffff;
	v12 =	vcvt.f32.s32 v17;
	v17 =	vmul.f32 v19, v0  }
0x4c: {  	v3 =	vadd.f32 v3, v5;
	v5 =	vmul.f32 v24, v7;
	v7 =	vmul.f32 v2, v10  }
0x4d: {  	v10 =	vnsel vm10, $0x6, v21;
	vm11 =	vlt.s32 v12, $0x6;
	v17 =	vmul.f32 v32, v17  }
0x4e: {  	v1 =	vld.idx.msk [tilespmem:v1+s4+$0x0], $0xffff;
	v7 =	vmul.f32 v11, v7;
	v11 =	vmul.f32 v14, v0;
	v14 =	vadd.s32 v10, v34  }
0x4f: {  	v41 =	vld [tilespmem:s31+$0x300];
	v12 =	vnsel vm11, $0x6, v12;
	v10 =	vcvt.s32.f32 v10;
	v3 =	vadd.f32 v3, v5  }
0x50: {  	v35 =	vld.idx.msk [tilespmem:v25+s4+$0x0], $0xffff;
	v0 =	vmul.f32 v2, v0;
	v14 =	vshll.u32 v14, $0x3;
	v8 =	vmul.f32 v8, v11  }
0x51: {  	v11 =	vcvt.s32.f32 v18;
	v14 =	vadd.s32 v12, v14;
	v12 =	vcvt.s32.f32 v12  }
0x52: {  	v6 =	vsub.f32 v6, v10;
	v3 =	vadd.f32 v3, v7;
	v36 =	vadd.s32 $0x1, v14  }
0x53: {  	v7 =	vmul.f32 v1, v0;
	v10 =	vadd.s32 $0x8, v14;
	v9 =	vsub.f32 v9, v11  }
0x54: {  	s30 =	simm.s32 $0x20;
	v18 =	vmax.f32 v41, $0.0e+00;
	v11 =	vsub.f32 v13, v16;
	v4 =	vsub.f32 v4, v12  }
0x55: {  	v12 =	vld [tilespmem:s30+$0x0];
	v13 =	vmul.f32 v35, v15;
	v39 =	vsub.f32 $1.000000000e+00, v6;
	v15 =	vsub.f32 $1.000000000e+00, v9  }
0x56: {  	v38 =	vadd.s32 $0x9, v14;
	v16 =	vsub.f32 $1.000000000e+00, v11;
	v40 =	vsub.f32 $1.000000000e+00, v4;
	v37 =	vld.idx.msk [tilespmem:v14+s4+$0x0], $0xffff  }
0x57: {  	v42 =	vadd.s32 $0x40, v14;
	v44 =	vadd.s32 $0x41, v14;
	v21 =	vmul.f32 v4, v39;
	v2 =	vld.idx.msk [tilespmem:v36+s4+$0x0], $0xffff  }
0x58: {  	v45 =	vadd.s32 $0x48, v14;
	v5 =	vmul.f32 v16, v15;
	v43 =	vmul.f32 v40, v39;
	v1 =	vld.idx.msk [tilespmem:v10+s4+$0x0], $0xffff  }
0x59: {  	v49 =	vadd.s32 $0x200, v14;
	v0 =	vmul.f32 v4, v6;
	v22 =	vmul.f32 v40, v6;
	v10 =	vld [tilespmem:s31+$0x200]  }
0x5a: {  	v51 =	vadd.s32 $0x201, v14;
	v26 =	vmul.f32 v43, v5;
	v27 =	vmul.f32 v21, v5  }
0x5b: {  	v17 =	vadd.f32 v3, v17;
	v3 =	vld.idx.msk [tilespmem:v38+s4+$0x0], $0xffff;
	v15 =	vmul.f32 v11, v15;
	v4 =	vmul.f32 v22, v5  }
0x5c: {  	v6 =	vmax.f32 v12, $0.0e+00;
	v12 =	vmul.f32 v26, v37;
	v2 =	vmul.f32 v27, v2  }
0x5d: {  	v46 =	vld.idx.msk [tilespmem:v42+s4+$0x0], $0xffff;
	v5 =	vmul.f32 v0, v5;
	v4 =	vmul.f32 v4, v1;
	v1 =	vmin.f32 v6, $7.000000000e+00  }
0x5e: {  	v19 =	vld.idx.msk [tilespmem:v45+s4+$0x0], $0xffff;
	v6 =	vmax.f32 v10, $0.0e+00;
	v10 =	vadd.s32 $0x49, v14;
	v2 =	vadd.f32 v12, v2  }
0x5f: {  	v55 =	vadd.s32 $0x208, v14;
	v56 =	vadd.s32 $0x209, v14;
	v59 =	vadd.s32 $0x241, v14;
	v12 =	vld.idx.msk [tilespmem:v44+s4+$0x0], $0xffff  }
0x60: {  	v3 =	vmul.f32 v5, v3;
	v5 =	vmul.f32 v43, v15;
	v4 =	vadd.f32 v2, v4  }
0x61: {  	v63 =	vadd.s32 $0x249, v14;
	v16 =	vmul.f32 v16, v9;
	v50 =	vmul.f32 v21, v15  }
0x62: {  	v53 =	vmul.f32 v22, v15;
	v5 =	vmul.f32 v5, v46;
	v4 =	vadd.f32 v4, v3  }
0x63: {  	v8 =	vadd.f32 v17, v8;
	v58 =	vmul.f32 v21, v16;
	v61 =	vmul.f32 v22, v16;
	v10 =	vld.idx.msk [tilespmem:v10+s4+$0x0], $0xffff  }
0x64: {  	v19 =	vmul.f32 v53, v19;
	v12 =	vmul.f32 v50, v12;
	v5 =	vadd.f32 v4, v5  }
0x65: {  	v57 =	vld.idx.msk [tilespmem:v51+s4+$0x0], $0xffff;
	v8 =	vadd.f32 v8, v13;
	v15 =	vmul.f32 v0, v15;
	v48 =	vtrunc.f32 v1  }
0x66: {  	v2 =	vmin.f32 v18, $7.000000000e+00;
	v18 =	vld.idx.msk [tilespmem:v49+s4+$0x0], $0xffff;
	v3 =	vmin.f32 v6, $7.000000000e+00;
	v5 =	vadd.f32 v5, v12  }
0x67: {  	v52 =	vcvt.f32.s32 v48;
	v54 =	vtrunc.f32 v3;
	v4 =	vmin.f32 v23, $7.000000000e+00  }
0x68: {  	v12 =	vtrunc.f32 v4;
	v10 =	vmul.f32 v10, v15;
	v5 =	vadd.f32 v5, v19  }
0x69: {  	v15 =	vadd.s32 $0x240, v14;
	v13 =	vcvt.f32.s32 v12;
	v12 =	vmul.f32 v43, v16  }
0x6a: {  	v6 =	vtrunc.f32 v2;
	v17 =	vcvt.f32.s32 v54;
	v5 =	vadd.f32 v5, v10;
	v10 =	vld.idx.msk [tilespmem:v55+s4+$0x0], $0xffff  }
0x6b: {  	vm12 =	vlt.s32 v52, $0x6;
	v23 =	vmul.f32 v57, v58;
	v18 =	vmul.f32 v18, v12  }
0x6c: {  	vm14 =	vlt.s32 v17, $0x6;
	v19 =	vld.idx.msk [tilespmem:v56+s4+$0x0], $0xffff;
	vm13 =	vlt.s32 v13, $0x6;
	v12 =	vnsel vm12, $0x6, v52  }
0x6d: {  	v18 =	vadd.f32 v5, v18;
	v5 =	vmul.f32 v11, v9;
	v9 =	vadd.s32 $0x248, v14  }
0x6e: {  	v16 =	vmul.f32 v0, v16;
	v13 =	vnsel vm13, $0x6, v13;
	v60 =	vshll.u32 v12, $0x6;
	v11 =	vld.idx.msk [tilespmem:v15+s4+$0x0], $0xffff  }
0x6f: {  	v62 =	vshll.u32 v13, $0x3;
	v15 =	vadd.f32 v18, v23;
	v10 =	vmul.f32 v10, v61  }
0x70: {  	v20 =	vld.idx.msk [tilespmem:v59+s4+$0x0], $0xffff;
	v6 =	vcvt.f32.s32 v6;
	v14 =	vnsel vm14, $0x6, v17;
	v17 =	vadd.s32 v60, v62  }
0x71: {  	v10 =	vadd.f32 v15, v10;
	v15 =	vmul.f32 v19, v16;
	v16 =	vmul.f32 v43, v5  }
0x72: {  	v7 =	vadd.f32 v8, v7;
	vm15 =	vlt.s32 v6, $0x6;
	v17 =	vadd.s32 v14, v17;
	v8 =	vld.idx.msk [tilespmem:v9+s4+$0x0], $0xffff  }
0x73: {  	s6 =	simm.s32 $0x1400;
	v10 =	vadd.f32 v10, v15;
	v11 =	vmul.f32 v11, v16;
	v16 =	vmul.f32 v21, v5  }
0x74: {  	[tilespmem:s6+$0x0] =	vst v7;
	v7 =	vld.idx.msk [tilespmem:v63+s4+$0x0], $0xffff;
	v15 =	vnsel vm15, $0x6, v6;
	v6 =	vshll.u32 v17, $0x3  }
0x75: {  	s7 =	simm.s32 $0x30;
	v9 =	vadd.f32 v10, v11;
	v10 =	vmul.f32 v20, v16;
	v11 =	vmul.f32 v22, v5  }
.LBB2_1:
0x76: {  	s5 =	sadd.s32 $0x10, s5;
	v16 =	vld [tilespmem:s7+$0x0];
	v12 =	vcvt.s32.f32 v12;
	v13 =	vcvt.s32.f32 v13;
	v6 =	vadd.s32 v15, v6  }
0x77: {  	v0 =	vmul.f32 v0, v5;
	s8 =	sand.u32 $0xF0, s5;
	p0 =	slt.u32 s5, $0xF0;
	v9 =	vadd.f32 v9, v10;
	v8 =	vmul.f32 v8, v11  }
0x78: {  	v10 =	vcvt.s32.f32 v14;
	v11 =	vcvt.s32.f32 v15;
	v14 =	vadd.s32 $0x1, v6;
	v5 =	vld [tilespmem:s8+$0x300]  }
0x79: {  	v15 =	vsub.f32 v1, v12;
	v0 =	vmul.f32 v7, v0;
	v1 =	vadd.f32 v9, v8  }
0x7a: {  	v8 =	vsub.f32 v4, v13;
	v3 =	vsub.f32 v3, v10;
	v4 =	vadd.s32 $0x8, v6;
	v7 =	vld [tilespmem:s8+$0x200]  }
0x7b: {  	v2 =	vsub.f32 v2, v11;
	v9 =	vmax.f32 v16, $0.0e+00;
	v10 =	vld [tilespmem:s8+$0x100];
	v0 =	vadd.f32 v1, v0  }
0x7c: {  	s6 =	sadd.s32 $0x10, s6;
	v11 =	vsub.f32 $1.000000000e+00, v15;
	v12 =	vsub.f32 $1.000000000e+00, v8;
	v16 =	vadd.s32 $0x9, v6;
	v13 =	vld.idx.msk [tilespmem:v6+s4+$0x0], $0xffff  }
0x7d: {  	v17 =	vsub.f32 $1.000000000e+00, v3;
	v18 =	vsub.f32 $1.000000000e+00, v2;
	v5 =	vmax.f32 v5, $0.0e+00;
	v14 =	vld.idx.msk [tilespmem:v14+s4+$0x0], $0xffff;
	[tilespmem:s6+$0x0] =	vst v0  }
0x7e: {  	v19 =	vadd.s32 $0x40, v6;
	v1 =	vmin.f32 v9, $7.000000000e+00;
	v9 =	vmul.f32 v12, v11  }
0x7f: {  	v20 =	vmul.f32 v18, v17;
	v17 =	vmul.f32 v2, v17;
	v7 =	vmax.f32 v7, $0.0e+00;
	v4 =	vld.idx.msk [tilespmem:v4+s4+$0x0], $0xffff  }
0x80: {  	v22 =	vadd.s32 $0x41, v6;
	v21 =	vtrunc.f32 v1;
	v18 =	vmul.f32 v18, v3  }
0x81: {  	v23 =	vmul.f32 v20, v9;
	v24 =	vmul.f32 v17, v9;
	v10 =	vmax.f32 v10, $0.0e+00;
	v16 =	vld.idx.msk [tilespmem:v16+s4+$0x0], $0xffff  }
0x82: {  	v26 =	vadd.s32 $0x48, v6;
	v0 =	vmul.f32 v2, v3;
	v25 =	vmul.f32 v18, v9  }
0x83: {  	v2 =	vmin.f32 v5, $7.000000000e+00;
	v5 =	vmul.f32 v23, v13;
	v13 =	vmul.f32 v24, v14;
	v14 =	vld.idx.msk [tilespmem:v19+s4+$0x0], $0xffff  }
0x84: {  	v3 =	vmin.f32 v7, $7.000000000e+00;
	v7 =	vmul.f32 v8, v11;
	v11 =	vadd.s32 $0x49, v6  }
0x85: {  	v9 =	vmul.f32 v0, v9;
	v5 =	vadd.f32 v5, v13;
	v13 =	vmul.f32 v25, v4;
	v19 =	vld.idx.msk [tilespmem:v22+s4+$0x0], $0xffff  }
0x86: {  	v4 =	vmin.f32 v10, $7.000000000e+00;
	v10 =	vtrunc.f32 v2;
	v22 =	vadd.s32 $0x200, v6  }
0x87: {  	v5 =	vadd.f32 v5, v13;
	v9 =	vmul.f32 v9, v16;
	v13 =	vmul.f32 v20, v7;
	v16 =	vld.idx.msk [tilespmem:v26+s4+$0x0], $0xffff  }
0x88: {  	v21 =	vcvt.f32.s32 v21;
	v23 =	vtrunc.f32 v3;
	v24 =	vadd.s32 $0x201, v6  }
0x89: {  	v5 =	vadd.f32 v5, v9;
	v9 =	vmul.f32 v13, v14;
	v13 =	vmul.f32 v17, v7;
	v11 =	vld.idx.msk [tilespmem:v11+s4+$0x0], $0xffff  }
0x8a: {  	v23 =	vcvt.f32.s32 v23;
	v25 =	vadd.s32 $0x208, v6;
	v14 =	vtrunc.f32 v4  }
0x8b: {  	v5 =	vadd.f32 v5, v9;
	v9 =	vmul.f32 v13, v19;
	v13 =	vmul.f32 v18, v7;
	v19 =	vld.idx.msk [tilespmem:v22+s4+$0x0], $0xffff  }
0x8c: {  	vm0 =	vlt.s32 v21, $0x6;
	v26 =	vadd.s32 $0x209, v6;
	v22 =	vmul.f32 v12, v15  }
0x8d: {  	v7 =	vmul.f32 v0, v7;
	v5 =	vadd.f32 v5, v9;
	v9 =	vmul.f32 v13, v16;
	v16 =	vld.idx.msk [tilespmem:v24+s4+$0x0], $0xffff  }
0x8e: {  	v12 =	vnsel vm0, $0x6, v21;
	v13 =	vcvt.f32.s32 v14;
	v14 =	vadd.s32 $0x240, v6  }
0x8f: {  	v5 =	vadd.f32 v5, v9;
	v7 =	vmul.f32 v11, v7;
	v9 =	vmul.f32 v20, v22;
	v11 =	vld.idx.msk [tilespmem:v25+s4+$0x0], $0xffff  }
0x90: {  	vm1 =	vlt.s32 v23, $0x6;
	v21 =	vadd.s32 $0x241, v6;
	vm0 =	vlt.s32 v13, $0x6  }
0x91: {  	v5 =	vadd.f32 v5, v7;
	v7 =	vmul.f32 v19, v9;
	v9 =	vmul.f32 v17, v22;
	v19 =	vld.idx.msk [tilespmem:v26+s4+$0x0], $0xffff  }
0x92: {  	v24 =	vshll.u32 v12, $0x6;
	v13 =	vnsel vm0, $0x6, v13;
	v25 =	vadd.s32 $0x248, v6  }
0x93: {  	v7 =	vadd.f32 v5, v7;
	v9 =	vmul.f32 v16, v9;
	v16 =	vmul.f32 v18, v22;
	v26 =	vld.idx.msk [tilespmem:v14+s4+$0x0], $0xffff  }
0x94: {  	v6 =	vadd.s32 $0x249, v6;
	v27 =	vshll.u32 v13, $0x3;
	v5 =	vmul.f32 v8, v15  }
0x95: {  	v7 =	vadd.f32 v7, v9;
	v8 =	vmul.f32 v11, v16;
	v9 =	vmul.f32 v0, v22;
	v11 =	vld.idx.msk [tilespmem:v21+s4+$0x0], $0xffff  }
0x96: {  	v10 =	vcvt.f32.s32 v10;
	v15 =	vadd.s32 v24, v27;
	v14 =	vnsel vm1, $0x6, v23  }
.Ltmp0:
0x97: {  	v16 =	vmul.f32 v20, v5;
	v7 =	vadd.f32 v7, v8;
	v9 =	vmul.f32 v19, v9;
	v8 =	vld.idx.msk [tilespmem:v25+s4+$0x0], $0xffff;
	(pc) =	sbr.rel @p0 .LBB2_1-.Ltmp0, $4  }
0x98: {  	vm0 =	vlt.s32 v10, $0x6;
	v19 =	vadd.s32 v14, v15  }
0x99: {  	v17 =	vmul.f32 v17, v5;
	v9 =	vadd.f32 v7, v9;
	v16 =	vmul.f32 v26, v16;
	v7 =	vld.idx.msk [tilespmem:v6+s4+$0x0], $0xffff  }
0x9a: {  	v15 =	vnsel vm0, $0x6, v10;
	v6 =	vshll.u32 v19, $0x3  }
0x9b: {  	s7 =	sadd.s32 $0x10, s7;
	v9 =	vadd.f32 v9, v16;
	v10 =	vmul.f32 v11, v17;
	v11 =	vmul.f32 v18, v5  }
0x9c: {  	v12 =	vcvt.s32.f32 v12;
	v13 =	vcvt.s32.f32 v13;
	v6 =	vadd.s32 v15, v6  }
0x9d: {  	v14 =	vcvt.s32.f32 v14;
	v61 =	vcvt.s32.f32 v15;
	v16 =	vadd.s32 $0x1, v6  }
0x9e: {  	v1 =	vsub.f32 v1, v12;
	v4 =	vsub.f32 v4, v13  }
0x9f: {  	v62 =	vadd.s32 $0x8, v6;
	v3 =	vsub.f32 v3, v14;
	v2 =	vsub.f32 v2, v61  }
0xa0: {  	v63 =	vsub.f32 $1.000000000e+00, v1;
	v28 =	vsub.f32 $1.000000000e+00, v4  }
0xa1: {  	v19 =	vadd.s32 $0x9, v6;
	v29 =	vsub.f32 $1.000000000e+00, v3;
	v17 =	vsub.f32 $1.000000000e+00, v2;
	v18 =	vld.idx.msk [tilespmem:v6+s4+$0x0], $0xffff  }
0xa2: {  	v16 =	vld.idx.msk [tilespmem:v16+s4+$0x0], $0xffff;
	v20 =	vmul.f32 v28, v63  }
0xa3: {  	v22 =	vadd.s32 $0x40, v6;
	v21 =	vmul.f32 v17, v29;
	v15 =	vmul.f32 v2, v29  }
0xa4: {  	v12 =	vld.idx.msk [tilespmem:v62+s4+$0x0], $0xffff;
	v17 =	vmul.f32 v17, v3  }
0xa5: {  	v30 =	vadd.s32 $0x41, v6;
	v23 =	vmul.f32 v21, v20;
	v24 =	vmul.f32 v15, v20  }
0xa6: {  	v2 =	vmul.f32 v2, v3;
	v19 =	vld.idx.msk [tilespmem:v19+s4+$0x0], $0xffff;
	v31 =	vmul.f32 v17, v20  }
0xa7: {  	v32 =	vadd.s32 $0x48, v6;
	v18 =	vmul.f32 v23, v18;
	v16 =	vmul.f32 v24, v16  }
0xa8: {  	v34 =	vadd.s32 $0x49, v6;
	v33 =	vld.idx.msk [tilespmem:v22+s4+$0x0], $0xffff;
	v13 =	vmul.f32 v4, v63  }
0xa9: {  	v20 =	vmul.f32 v2, v20;
	v12 =	vmul.f32 v31, v12;
	v16 =	vadd.f32 v18, v16  }
0xaa: {  	v36 =	vadd.s32 $0x200, v6;
	v3 =	vld.idx.msk [tilespmem:v30+s4+$0x0], $0xffff  }
0xab: {  	v37 =	vmul.f32 v21, v13;
	v35 =	vmul.f32 v20, v19;
	v12 =	vadd.f32 v16, v12  }
0xac: {  	v39 =	vadd.s32 $0x201, v6;
	v38 =	vld.idx.msk [tilespmem:v32+s4+$0x0], $0xffff  }
0xad: {  	v40 =	vmul.f32 v15, v13;
	v18 =	vmul.f32 v37, v33;
	v12 =	vadd.f32 v12, v35  }
0xae: {  	v42 =	vadd.s32 $0x208, v6;
	v22 =	vld.idx.msk [tilespmem:v34+s4+$0x0], $0xffff  }
0xaf: {  	v41 =	vmul.f32 v17, v13;
	v3 =	vmul.f32 v40, v3;
	v12 =	vadd.f32 v12, v18  }
0xb0: {  	v44 =	vadd.s32 $0x209, v6;
	v14 =	vmul.f32 v28, v1;
	v19 =	vld.idx.msk [tilespmem:v36+s4+$0x0], $0xffff  }
0xb1: {  	v13 =	vmul.f32 v2, v13;
	v43 =	vmul.f32 v41, v38;
	v3 =	vadd.f32 v12, v3  }
0xb2: {  	v47 =	vadd.s32 $0x240, v6;
	v16 =	vld.idx.msk [tilespmem:v39+s4+$0x0], $0xffff  }
0xb3: {  	v46 =	vmul.f32 v21, v14;
	v45 =	vmul.f32 v22, v13;
	v3 =	vadd.f32 v3, v43  }
0xb4: {  	v50 =	vadd.s32 $0x241, v6;
	v20 =	vld.idx.msk [tilespmem:v42+s4+$0x0], $0xffff  }
0xb5: {  	v49 =	vmul.f32 v15, v14;
	v48 =	vmul.f32 v19, v46;
	v3 =	vadd.f32 v3, v45  }
0xb6: {  	v52 =	vadd.s32 $0x248, v6;
	v18 =	vld.idx.msk [tilespmem:v44+s4+$0x0], $0xffff  }
0xb7: {  	v53 =	vmul.f32 v17, v14;
	v51 =	vmul.f32 v16, v49;
	v3 =	vadd.f32 v3, v48  }
0xb8: {  	v6 =	vadd.s32 $0x249, v6;
	v1 =	vmul.f32 v4, v1;
	v54 =	vld.idx.msk [tilespmem:v47+s4+$0x0], $0xffff  }
0xb9: {  	v14 =	vmul.f32 v2, v14;
	v55 =	vmul.f32 v20, v53;
	v3 =	vadd.f32 v3, v51  }
0xba: {  	v56 =	vld.idx.msk [tilespmem:v50+s4+$0x0], $0xffff  }
0xbb: {  	v58 =	vmul.f32 v21, v1;
	v57 =	vmul.f32 v18, v14;
	v3 =	vadd.f32 v3, v55  }
0xbc: {  	v13 =	vld.idx.msk [tilespmem:v52+s4+$0x0], $0xffff  }
0xbd: {  	v59 =	vmul.f32 v15, v1;
	v4 =	vmul.f32 v54, v58;
	v3 =	vadd.f32 v3, v57  }
0xbe: {  	v6 =	vld.idx.msk [tilespmem:v6+s4+$0x0], $0xffff  }
0xbf: {  	v61 =	vmul.f32 v17, v1;
	v60 =	vmul.f32 v56, v59;
	v3 =	vadd.f32 v3, v4  }
0xc0: {  	v0 =	vmul.f32 v0, v5;
	v9 =	vadd.f32 v9, v10;
	v8 =	vmul.f32 v8, v11  }
0xc1: {  	v1 =	vmul.f32 v2, v1;
	v62 =	vmul.f32 v13, v61;
	v3 =	vadd.f32 v3, v60  }
0xc2: {  	v0 =	vmul.f32 v7, v0;
	v63 =	vadd.f32 v9, v8  }
0xc3: {  	v1 =	vmul.f32 v6, v1;
	v3 =	vadd.f32 v3, v62  }
0xc4: {  	v0 =	vadd.f32 v63, v0  }
0xc5: {  	s28 =	sadd.s32 $0x10, s6;
	v1 =	vadd.f32 v3, v1  }
0xc6: {  	s2 =	sadd.s32 s2, s3;
	[tilespmem:s28+$0x0] =	vst v0;
	s4 =	sadd.s32 $0x10, s28  }
0xc7: {  	s29 =	simm.s32 $0x0;
	s30 =	simm.s32 $0x1400;
	s31 =	simm.s32 $0x2;
	[tilespmem:s4+$0x0] =	vst v1  }
0xc8: {  	[hbm4b:s2+s29] =	stream.linear.scatter [tilespmem:s30], [sflag:$0x2], $0x100, $0x38;
	[tilespmem:$0x1500] =	vst v63  }
0xc9: {  	_ =	swait.ge [sflag:s31], $0x100  }
0xca: {  	[sflag:s31] =	ssyncset.done $0x0  }
0xcb: {  	[sflag:s31] =	ssyncadd.s32 $0xFFFFFF00  }
0xcc: {  	_ =	sfence.sel $0x180000  }
0xcd: {  	[bflag:$0x0] =	sbarrier.arrive $0xFFFF  }
0xce: {  	p0 =	sne.s32 s1, $0x0;
	_ =	strace $0x90000047  }
0xcf: {  	s0 =	sadd.s32 @!p0 $0x100000, s0;
	[bflag:$0x2] =	sbarrier.arrive $0xFFFF  }
0xd0: {  	[sflag:s0] =	ssyncadd.tile.s32 @!p0 $0x1;
	_ =	shalt  }
.Lfunc_end2:
_tile_overlayer_lowered:
.L_overlay_start_2:
0xd1: {  	(tag) =	ssettag $0x2  }
0xd2: {  	s0 =	rddreg [dreg:$0x0];
	s2 =	stileid.u32  }
0xd3: {  	s1 =	rddreg [dreg:$0x1];
	p0 =	sne.s32 s2, $0x0  }
0xd4: {  	s3 =	rddreg [dreg:$0x2];
	[bflag:$0x3] =	sbarrier.arrive $0xFFFF;
	s2 =	simm.s32 @!p0 $0x1C02  }
0xd5: {  	[timem:s3], [sflag:s2] =	dma.local @!p0 [hbm:s0], s1  }
0xd6: {  	s0 =	simm.s32 @!p0 $0x2  }
0xd7: {  	_ =	swait.ge @!p0 [sflag:s0], s1  }
0xd8: {  	s1 =	ssub.s32 @!p0 $0x0, s1;
	[sflag:s0] =	ssyncset.done @!p0 $0x0  }
0xd9: {  	[sflag:s0] =	ssyncadd.s32 @!p0 s1  }
0xda: {  	[bflag:$0x3] =	sbarrier.arrive $0xFFFF  }
0xdb: {  	_ =	shalt  }

</sc_bundles>
